<compile_context>
chip_gen: v7x
topology: tpu7x:2x2x1
jax: 0.10.2.dev20260603
libtpu: 0.0.44.dev20260713+nightly
codegen_flags: <defaults>
</compile_context>

<pallas_src>
import functools

import jax
import jax.numpy as jnp
import numpy as np
from jax import lax
from jax.experimental import pallas as pl
from jax.experimental.pallas import tpu as pltpu
from jax.experimental.pallas import tpu_sc as plsc

_seg64 = np.linspace(-8.0, 6.0, 17).astype(np.float64)
_silu64 = _seg64 / (1.0 + np.exp(-_seg64))
_slopes64 = (_silu64[1:] - _silu64[:-1]) / (_seg64[1:] - _seg64[:-1])
_icpts64 = _silu64[:-1] - _seg64[:-1] * _slopes64

_TAB = np.zeros((2, 32), dtype=np.float32)
_TAB[0, :16] = _slopes64.astype(np.float32)
_TAB[0, 16] = 1.0
_TAB[1, :16] = _icpts64.astype(np.float32)
_TAB[1, 16] = -0.0005

_INV_H = np.float32(16.0 / 14.0)
_K8 = np.float32(8.0 * 16.0 / 14.0)

_N = 2 * 8192 * 4096
_NC, _NS, _L = 2, 16, 16
_NW = _NC * _NS
_PER_W = _N // _NW
_C = 8192
_CHUNKS = _PER_W // _C
_VPC = _C // _L


def _body(x_hbm, tab_hbm, out_hbm, stab, ctab, inbuf, outbuf,
          sem_in0, sem_in1, sem_out0, sem_out1):
    wid = lax.axis_index("s") * _NC + lax.axis_index("c")
    base = wid * _PER_W

    pltpu.sync_copy(tab_hbm.at[0], stab)
    pltpu.sync_copy(tab_hbm.at[1], ctab)

    sems_in = (sem_in0, sem_in1)
    sems_out = (sem_out0, sem_out1)

    def start_in(k, b):
        pltpu.make_async_copy(
            x_hbm.at[pl.ds(base + k * _C, _C)], inbuf.at[b], sems_in[b]
        ).start()

    def wait_in(b):
        pltpu.make_async_copy(
            x_hbm.at[pl.ds(base, _C)], inbuf.at[b], sems_in[b]
        ).wait()

    def start_out(k, b):
        pltpu.make_async_copy(
            outbuf.at[b], out_hbm.at[pl.ds(base + k * _C, _C)], sems_out[b]
        ).start()

    def wait_out(b):
        pltpu.make_async_copy(
            outbuf.at[b], out_hbm.at[pl.ds(base, _C)], sems_out[b]
        ).wait()

    start_in(0, 0)
    start_in(1, 1)

    @pl.loop(0, _CHUNKS // 2)
    def _pair(p):
        t = p * 2
        for b in range(2):
            k = t + b
            wait_in(b)

            @pl.when(k >= 2)
            def _():
                wait_out(b)

            @pl.loop(0, _VPC, unroll=4)
            def _vec(j):
                off = j * _L
                xv = inbuf[b, pl.ds(off, _L)]
                xc = jnp.maximum(xv, jnp.float32(-8.0))
                u = xc * _INV_H + _K8
                i = jnp.minimum(u.astype(jnp.int32), 15)
                i = jnp.where(xc > jnp.float32(6.0), 16, i)
                s = plsc.load_gather(stab, [i])
                c = plsc.load_gather(ctab, [i])
                outbuf[b, pl.ds(off, _L)] = s * xc + c

            start_out(k, b)

            @pl.when(k + 2 < _CHUNKS)
            def _():
                start_in(k + 2, b)

    for b in range(2):
        wait_out(b)


@jax.jit
def _run(x_flat, tab):
    mesh = plsc.VectorSubcoreMesh(
        core_axis_name="c", subcore_axis_name="s",
        num_cores=_NC, num_subcores=_NS,
    )
    fn = pl.kernel(
        _body,
        out_type=jax.ShapeDtypeStruct((_N,), jnp.float32),
        mesh=mesh,
        compiler_params=pltpu.CompilerParams(needs_layout_passes=False),
        scratch_types=[
            pltpu.VMEM((32,), jnp.float32),
            pltpu.VMEM((32,), jnp.float32),
            pltpu.VMEM((2, _C), jnp.float32),
            pltpu.VMEM((2, _C), jnp.float32),
            pltpu.SemaphoreType.DMA,
            pltpu.SemaphoreType.DMA,
            pltpu.SemaphoreType.DMA,
            pltpu.SemaphoreType.DMA,
        ],
    )
    return fn(x_flat, tab)


def kernel(x):
    out = _run(x.reshape(_N), jnp.asarray(_TAB))
    return out.reshape(x.shape)

# --- scband reference (transcript-rebuilt; emitter-appended) ---
"""Pipeline reference for scband-approx-si-lu16-77730318123310 (READ-ONLY COPY).

The authoritative reference and input builder live on the scoring server;
editing this copy changes nothing except your own understanding.
"""

import jax, jax.numpy as jnp
import numpy as np


def setup_inputs(seed: int = 0) -> dict:
    key = jax.random.key(seed)
    x = jax.random.normal(key, (2, 8192, 4096), dtype=jnp.float32)
    return {"x": x}


def reference(x):
    # Piecewise-linear approximation of SiLU over 16 segments on [-8, 6].
    segment = jnp.linspace(-8.0, 6.0, 17).astype(jnp.float32)
    silu_vals = segment * jax.nn.sigmoid(segment)

    mask_right = x > segment[-1]

    x_clamped = jnp.clip(x, segment[0], segment[-1])
    # torch.bucketize(x, b, right=False): smallest i with b[i-1] < x <= b[i]
    # == jnp.searchsorted(b, x, side='left')
    indices = jnp.searchsorted(segment, x_clamped, side='left') - 1
    indices = jnp.clip(indices, 0, segment.shape[0] - 2)

    x0 = segment[indices]
    x1 = segment[indices + 1]
    y0 = silu_vals[indices]
    y1 = silu_vals[indices + 1]

    t = (x_clamped - x0) / (x1 - x0)
    interp = y0 + t * (y1 - y0)

    out = jnp.where(mask_right, x - 0.0005, interp)
    return out

if __name__ == "__main__":
    import jax
    _d = setup_inputs()
    print(jax.jit(kernel)(*tuple(_d.values())))

</pallas_src>

<mosaic_0001>
#map = affine_map<(d0, d1) -> (0)>
#map1 = affine_map<(d0, d1) -> (0, 0)>
module attributes {stable_mosaic.version = 14 : i64} {
  func.func @_body(%arg0: i32, %arg1: i32, %arg2: memref<67108864xf32, #tpu.memory_space<hbm>>, %arg3: memref<2x32xf32, #tpu.memory_space<hbm>>, %arg4: memref<67108864xf32, #tpu.memory_space<hbm>>, %arg5: memref<32xf32, #tpu.memory_space<vmem>>, %arg6: memref<32xf32, #tpu.memory_space<vmem>>, %arg7: memref<2x8192xf32, #tpu.memory_space<vmem>>, %arg8: memref<2x8192xf32, #tpu.memory_space<vmem>>, %arg9: memref<!tpu.dma_semaphore, #tpu.memory_space<semaphore_mem>>, %arg10: memref<!tpu.dma_semaphore, #tpu.memory_space<semaphore_mem>>, %arg11: memref<!tpu.dma_semaphore, #tpu.memory_space<semaphore_mem>>, %arg12: memref<!tpu.dma_semaphore, #tpu.memory_space<semaphore_mem>>) attributes {dimension_semantics = [#tpu.dimension_semantics<core_parallel>, #tpu.dimension_semantics<subcore_parallel>], iteration_bounds = array<i64: 2, 16>, scalar_prefetch = 0 : i64, scratch_operands = 8 : i64, tpu.core_type = #tpu.core_type<sc_vector_subcore>, window_params = [{transform_indices = #map}, {transform_indices = #map1}, {transform_indices = #map}]} {
    %mul3A = arith.constant 2 : i32
    %mul3A_0 = arith.muli %arg1, %mul3A : i32
    %add3A = arith.addi %mul3A_0, %arg0 : i32
    %mul3A_1 = arith.constant 2097152 : i32
    %mul3A_2 = arith.muli %add3A, %mul3A_1 : i32
    %run_scoped3A = arith.constant 0 : i32
    "tpu.region"() ({
      %run_scoped3A_46 = tpu.sem_alloc : memref<!tpu.dma_semaphore, #tpu.memory_space<semaphore_mem>>
      %dma_start3A_47 = arith.constant 0 : i32
      %dma_start3A_48 = tpu.memref_slice %arg3[%run_scoped3A, %dma_start3A_47] : memref<2x32xf32, #tpu.memory_space<hbm>> -> memref<1x32xf32, #tpu.memory_space<hbm>>
      %dma_start3A_49 = tpu.memref_squeeze %dma_start3A_48 : memref<1x32xf32, #tpu.memory_space<hbm>> -> memref<32xf32, #tpu.memory_space<hbm>>
      %dma_start3A_50 = arith.constant 0 : i32
      %dma_start3A_51 = tpu.memref_slice %arg3[%run_scoped3A, %dma_start3A_50] : memref<2x32xf32, #tpu.memory_space<hbm>> -> memref<1x32xf32, #tpu.memory_space<hbm>>
      %dma_start3A_52 = tpu.memref_squeeze %dma_start3A_51 : memref<1x32xf32, #tpu.memory_space<hbm>> -> memref<32xf32, #tpu.memory_space<hbm>>
      tpu.enqueue_dma source(%dma_start3A_52 : memref<32xf32, #tpu.memory_space<hbm>>) target(%arg5 : memref<32xf32, #tpu.memory_space<vmem>>) target_semaphore(%run_scoped3A_46 : memref<!tpu.dma_semaphore, #tpu.memory_space<semaphore_mem>>)
      %dma_wait3A_53 = arith.constant 0 : i32
      %dma_wait3A_54 = tpu.memref_slice %arg3[%run_scoped3A, %dma_wait3A_53] : memref<2x32xf32, #tpu.memory_space<hbm>> -> memref<1x32xf32, #tpu.memory_space<hbm>>
      %dma_wait3A_55 = tpu.memref_squeeze %dma_wait3A_54 : memref<1x32xf32, #tpu.memory_space<hbm>> -> memref<32xf32, #tpu.memory_space<hbm>>
      %dma_wait3A_56 = arith.constant 0 : i32
      %dma_wait3A_57 = tpu.memref_slice %arg3[%run_scoped3A, %dma_wait3A_56] : memref<2x32xf32, #tpu.memory_space<hbm>> -> memref<1x32xf32, #tpu.memory_space<hbm>>
      %dma_wait3A_58 = tpu.memref_squeeze %dma_wait3A_57 : memref<1x32xf32, #tpu.memory_space<hbm>> -> memref<32xf32, #tpu.memory_space<hbm>>
      tpu.wait_dma2 semaphore(%run_scoped3A_46 : memref<!tpu.dma_semaphore, #tpu.memory_space<semaphore_mem>>) src(%dma_wait3A_58 : memref<32xf32, #tpu.memory_space<hbm>>) dst(%arg5 : memref<32xf32, #tpu.memory_space<vmem>>)
      tpu.yield
    }) : () -> ()
    %run_scoped3A_3 = arith.constant 1 : i32
    "tpu.region"() ({
      %run_scoped3A_46 = tpu.sem_alloc : memref<!tpu.dma_semaphore, #tpu.memory_space<semaphore_mem>>
      %dma_start3A_47 = arith.constant 0 : i32
      %dma_start3A_48 = tpu.memref_slice %arg3[%run_scoped3A_3, %dma_start3A_47] : memref<2x32xf32, #tpu.memory_space<hbm>> -> memref<1x32xf32, #tpu.memory_space<hbm>>
      %dma_start3A_49 = tpu.memref_squeeze %dma_start3A_48 : memref<1x32xf32, #tpu.memory_space<hbm>> -> memref<32xf32, #tpu.memory_space<hbm>>
      %dma_start3A_50 = arith.constant 0 : i32
      %dma_start3A_51 = tpu.memref_slice %arg3[%run_scoped3A_3, %dma_start3A_50] : memref<2x32xf32, #tpu.memory_space<hbm>> -> memref<1x32xf32, #tpu.memory_space<hbm>>
      %dma_start3A_52 = tpu.memref_squeeze %dma_start3A_51 : memref<1x32xf32, #tpu.memory_space<hbm>> -> memref<32xf32, #tpu.memory_space<hbm>>
      tpu.enqueue_dma source(%dma_start3A_52 : memref<32xf32, #tpu.memory_space<hbm>>) target(%arg6 : memref<32xf32, #tpu.memory_space<vmem>>) target_semaphore(%run_scoped3A_46 : memref<!tpu.dma_semaphore, #tpu.memory_space<semaphore_mem>>)
      %dma_wait3A_53 = arith.constant 0 : i32
      %dma_wait3A_54 = tpu.memref_slice %arg3[%run_scoped3A_3, %dma_wait3A_53] : memref<2x32xf32, #tpu.memory_space<hbm>> -> memref<1x32xf32, #tpu.memory_space<hbm>>
      %dma_wait3A_55 = tpu.memref_squeeze %dma_wait3A_54 : memref<1x32xf32, #tpu.memory_space<hbm>> -> memref<32xf32, #tpu.memory_space<hbm>>
      %dma_wait3A_56 = arith.constant 0 : i32
      %dma_wait3A_57 = tpu.memref_slice %arg3[%run_scoped3A_3, %dma_wait3A_56] : memref<2x32xf32, #tpu.memory_space<hbm>> -> memref<1x32xf32, #tpu.memory_space<hbm>>
      %dma_wait3A_58 = tpu.memref_squeeze %dma_wait3A_57 : memref<1x32xf32, #tpu.memory_space<hbm>> -> memref<32xf32, #tpu.memory_space<hbm>>
      tpu.wait_dma2 semaphore(%run_scoped3A_46 : memref<!tpu.dma_semaphore, #tpu.memory_space<semaphore_mem>>) src(%dma_wait3A_58 : memref<32xf32, #tpu.memory_space<hbm>>) dst(%arg6 : memref<32xf32, #tpu.memory_space<vmem>>)
      tpu.yield
    }) : () -> ()
    %add3A_4 = arith.constant 0 : i32
    %add3A_5 = arith.addi %mul3A_2, %add3A_4 : i32
    %dma_start3A = arith.constant 0 : i32
    %dma_start3A_6 = arith.constant 0 : i32
    %dma_start3A_7 = tpu.memref_slice %arg7[%dma_start3A, %dma_start3A_6] : memref<2x8192xf32, #tpu.memory_space<vmem>> -> memref<1x8192xf32, #tpu.memory_space<vmem>>
    %dma_start3A_8 = tpu.memref_squeeze %dma_start3A_7 : memref<1x8192xf32, #tpu.memory_space<vmem>> -> memref<8192xf32, #tpu.memory_space<vmem>>
    %dma_start3A_9 = tpu.memref_slice %arg2[%add3A_5] : memref<67108864xf32, #tpu.memory_space<hbm>> -> memref<8192xf32, #tpu.memory_space<hbm>>
    %dma_start3A_10 = arith.constant 0 : i32
    %dma_start3A_11 = tpu.memref_slice %arg7[%dma_start3A, %dma_start3A_10] : memref<2x8192xf32, #tpu.memory_space<vmem>> -> memref<1x8192xf32, #tpu.memory_space<vmem>>
    %dma_start3A_12 = tpu.memref_squeeze %dma_start3A_11 : memref<1x8192xf32, #tpu.memory_space<vmem>> -> memref<8192xf32, #tpu.memory_space<vmem>>
    %dma_start3A_13 = tpu.memref_slice %arg2[%add3A_5] : memref<67108864xf32, #tpu.memory_space<hbm>> -> memref<8192xf32, #tpu.memory_space<hbm>>
    tpu.enqueue_dma source(%dma_start3A_13 : memref<8192xf32, #tpu.memory_space<hbm>>) target(%dma_start3A_12 : memref<8192xf32, #tpu.memory_space<vmem>>) target_semaphore(%arg9 : memref<!tpu.dma_semaphore, #tpu.memory_space<semaphore_mem>>)
    %add3A_14 = arith.constant 8192 : i32
    %add3A_15 = arith.addi %mul3A_2, %add3A_14 : i32
    %dma_start3A_16 = arith.constant 1 : i32
    %dma_start3A_17 = arith.constant 0 : i32
    %dma_start3A_18 = tpu.memref_slice %arg7[%dma_start3A_16, %dma_start3A_17] : memref<2x8192xf32, #tpu.memory_space<vmem>> -> memref<1x8192xf32, #tpu.memory_space<vmem>>
    %dma_start3A_19 = tpu.memref_squeeze %dma_start3A_18 : memref<1x8192xf32, #tpu.memory_space<vmem>> -> memref<8192xf32, #tpu.memory_space<vmem>>
    %dma_start3A_20 = tpu.memref_slice %arg2[%add3A_15] : memref<67108864xf32, #tpu.memory_space<hbm>> -> memref<8192xf32, #tpu.memory_space<hbm>>
    %dma_start3A_21 = arith.constant 0 : i32
    %dma_start3A_22 = tpu.memref_slice %arg7[%dma_start3A_16, %dma_start3A_21] : memref<2x8192xf32, #tpu.memory_space<vmem>> -> memref<1x8192xf32, #tpu.memory_space<vmem>>
    %dma_start3A_23 = tpu.memref_squeeze %dma_start3A_22 : memref<1x8192xf32, #tpu.memory_space<vmem>> -> memref<8192xf32, #tpu.memory_space<vmem>>
    %dma_start3A_24 = tpu.memref_slice %arg2[%add3A_15] : memref<67108864xf32, #tpu.memory_space<hbm>> -> memref<8192xf32, #tpu.memory_space<hbm>>
    tpu.enqueue_dma source(%dma_start3A_24 : memref<8192xf32, #tpu.memory_space<hbm>>) target(%dma_start3A_23 : memref<8192xf32, #tpu.memory_space<vmem>>) target_semaphore(%arg10 : memref<!tpu.dma_semaphore, #tpu.memory_space<semaphore_mem>>)
    %scan3A = arith.constant 0 : i32
    %scan3A_25 = arith.constant 128 : i32
    %scan3A_26 = arith.addi %scan3A, %scan3A_25 : i32
    %scan3A_27 = arith.constant 1 : i32
    scf.for %scan3A_46 = %scan3A to %scan3A_26 step %scan3A_27  : i32 {
      %mul3A_47 = arith.constant 1 : i32
      %mul3A_48 = arith.muli %scan3A_46, %mul3A_47 : i32
      %add3A_49 = arith.constant 0 : i32
      %add3A_50 = arith.addi %add3A_49, %mul3A_48 : i32
      %mul3A_51 = arith.constant 2 : i32
      %mul3A_52 = arith.muli %add3A_50, %mul3A_51 : i32
      %add3A_53 = arith.constant 0 : i32
      %add3A_54 = arith.addi %mul3A_52, %add3A_53 : i32
      %dma_wait3A_55 = arith.constant 0 : i32
      %dma_wait3A_56 = arith.constant 0 : i32
      %dma_wait3A_57 = tpu.memref_slice %arg7[%dma_wait3A_55, %dma_wait3A_56] : memref<2x8192xf32, #tpu.memory_space<vmem>> -> memref<1x8192xf32, #tpu.memory_space<vmem>>
      %dma_wait3A_58 = tpu.memref_squeeze %dma_wait3A_57 : memref<1x8192xf32, #tpu.memory_space<vmem>> -> memref<8192xf32, #tpu.memory_space<vmem>>
      %dma_wait3A_59 = tpu.memref_slice %arg2[%mul3A_2] : memref<67108864xf32, #tpu.memory_space<hbm>> -> memref<8192xf32, #tpu.memory_space<hbm>>
      %dma_wait3A_60 = arith.constant 0 : i32
      %dma_wait3A_61 = tpu.memref_slice %arg7[%dma_wait3A_55, %dma_wait3A_60] : memref<2x8192xf32, #tpu.memory_space<vmem>> -> memref<1x8192xf32, #tpu.memory_space<vmem>>
      %dma_wait3A_62 = tpu.memref_squeeze %dma_wait3A_61 : memref<1x8192xf32, #tpu.memory_space<vmem>> -> memref<8192xf32, #tpu.memory_space<vmem>>
      %dma_wait3A_63 = tpu.memref_slice %arg2[%mul3A_2] : memref<67108864xf32, #tpu.memory_space<hbm>> -> memref<8192xf32, #tpu.memory_space<hbm>>
      tpu.wait_dma2 semaphore(%arg9 : memref<!tpu.dma_semaphore, #tpu.memory_space<semaphore_mem>>) src(%dma_wait3A_63 : memref<8192xf32, #tpu.memory_space<hbm>>) dst(%dma_wait3A_62 : memref<8192xf32, #tpu.memory_space<vmem>>)
      %ge3A = arith.constant 2 : i32
      %ge3A_64 = arith.cmpi sge, %add3A_54, %ge3A : i32
      %convert_element_type3A = arith.extui %ge3A_64 : i1 to i32
      %cond3A = arith.constant 0 : i32
      %cond3A_65 = arith.cmpi ne, %convert_element_type3A, %cond3A : i32
      scf.if %cond3A_65 {
        %dma_wait3A_129 = arith.constant 0 : i32
        %dma_wait3A_130 = arith.constant 0 : i32
        %dma_wait3A_131 = tpu.memref_slice %arg8[%dma_wait3A_129, %dma_wait3A_130] : memref<2x8192xf32, #tpu.memory_space<vmem>> -> memref<1x8192xf32, #tpu.memory_space<vmem>>
        %dma_wait3A_132 = tpu.memref_squeeze %dma_wait3A_131 : memref<1x8192xf32, #tpu.memory_space<vmem>> -> memref<8192xf32, #tpu.memory_space<vmem>>
        %dma_wait3A_133 = tpu.memref_slice %arg4[%mul3A_2] : memref<67108864xf32, #tpu.memory_space<hbm>> -> memref<8192xf32, #tpu.memory_space<hbm>>
        %dma_wait3A_134 = tpu.memref_slice %arg4[%mul3A_2] : memref<67108864xf32, #tpu.memory_space<hbm>> -> memref<8192xf32, #tpu.memory_space<hbm>>
        %dma_wait3A_135 = arith.constant 0 : i32
        %dma_wait3A_136 = tpu.memref_slice %arg8[%dma_wait3A_129, %dma_wait3A_135] : memref<2x8192xf32, #tpu.memory_space<vmem>> -> memref<1x8192xf32, #tpu.memory_space<vmem>>
        %dma_wait3A_137 = tpu.memref_squeeze %dma_wait3A_136 : memref<1x8192xf32, #tpu.memory_space<vmem>> -> memref<8192xf32, #tpu.memory_space<vmem>>
        tpu.wait_dma2 semaphore(%arg11 : memref<!tpu.dma_semaphore, #tpu.memory_space<semaphore_mem>>) src(%dma_wait3A_137 : memref<8192xf32, #tpu.memory_space<vmem>>) dst(%dma_wait3A_134 : memref<8192xf32, #tpu.memory_space<hbm>>)
      } else {
      }
      %scan3A_66 = arith.constant 0 : i32
      %scan3A_67 = arith.constant 512 : i32
      %scan3A_68 = arith.addi %scan3A_66, %scan3A_67 : i32
      %scan3A_69 = arith.constant 4 : i32
      scf.for %scan3A_129 = %scan3A_66 to %scan3A_68 step %scan3A_69  : i32 {
        %mul3A_130 = arith.constant 1 : i32
        %mul3A_131 = arith.muli %scan3A_129, %mul3A_130 : i32
        %add3A_132 = arith.constant 0 : i32
        %add3A_133 = arith.addi %add3A_132, %mul3A_131 : i32
        %mul3A_134 = arith.constant 16 : i32
        %mul3A_135 = arith.muli %add3A_133, %mul3A_134 : i32
        %get3A = arith.constant 0 : i32
        %get3A_136 = arith.index_cast %get3A : i32 to index
        %get3A_137 = arith.index_cast %mul3A_135 : i32 to index
        %get3A_138 = tpu.vector_load %arg7[%get3A_136, %get3A_137] {strides = array<i32>} : memref<2x8192xf32, #tpu.memory_space<vmem>>, vector<16xf32>,
        %max3A = arith.constant -8.000000e+00 : f32
        %max3A_139 = vector.broadcast %max3A : f32 to vector<16xf32>
        %max3A_140 = arith.maximumf %get3A_138, %max3A_139 : vector<16xf32>
        %mul3A_141 = arith.constant 1.14285719 : f32
        %mul3A_142 = vector.broadcast %mul3A_141 : f32 to vector<16xf32>
        %mul3A_143 = arith.mulf %max3A_140, %mul3A_142 : vector<16xf32>
        %add3A_144 = arith.constant 9.14285755 : f32
        %add3A_145 = vector.broadcast %add3A_144 : f32 to vector<16xf32>
        %add3A_146 = arith.addf %mul3A_143, %add3A_145 : vector<16xf32>
        %convert_element_type3A_147 = arith.fptosi %add3A_146 : vector<16xf32> to vector<16xi32>
        %min3A = arith.constant 15 : i32
        %min3A_148 = vector.broadcast %min3A : i32 to vector<16xi32>
        %min3A_149 = arith.minsi %convert_element_type3A_147, %min3A_148 : vector<16xi32>
        %gt3A = arith.constant 6.000000e+00 : f32
        %gt3A_150 = vector.broadcast %gt3A : f32 to vector<16xf32>
        %gt3A_151 = arith.cmpf ogt, %max3A_140, %gt3A_150 : vector<16xf32>
        %jit3A = arith.constant 16 : i32
        %broadcast_in_dim3A = vector.broadcast %jit3A : i32 to vector<16xi32>
        %select_n3A = arith.select %gt3A_151, %broadcast_in_dim3A, %min3A_149 : vector<16xi1>, vector<16xi32>
        %gather3A = tpu.vector_load_idx %arg5[%select_n3A] : memref<32xf32, #tpu.memory_space<vmem>>[vector<16xi32>], vector<16xf32>,
        %gather3A_152 = tpu.vector_load_idx %arg6[%select_n3A] : memref<32xf32, #tpu.memory_space<vmem>>[vector<16xi32>], vector<16xf32>,
        %mul3A_153 = arith.mulf %gather3A, %max3A_140 : vector<16xf32>
        %add3A_154 = arith.addf %mul3A_153, %gather3A_152 : vector<16xf32>
        %swap3A = arith.constant 0 : i32
        %swap3A_155 = arith.index_cast %swap3A : i32 to index
        %swap3A_156 = arith.index_cast %mul3A_135 : i32 to index
        %swap3A_157 = tpu.vector_load %arg8[%swap3A_155, %swap3A_156] {strides = array<i32>} : memref<2x8192xf32, #tpu.memory_space<vmem>>, vector<16xf32>,
        tpu.vector_store %arg8[%swap3A_155, %swap3A_156], %add3A_154 {strides = array<i32>} : memref<2x8192xf32, #tpu.memory_space<vmem>>, vector<16xf32>,
        %scan3A_158 = arith.constant 1 : i32
        %scan3A_159 = arith.addi %scan3A_129, %scan3A_158 : i32
        %mul3A_160 = arith.constant 1 : i32
        %mul3A_161 = arith.muli %scan3A_159, %mul3A_160 : i32
        %add3A_162 = arith.constant 0 : i32
        %add3A_163 = arith.addi %add3A_162, %mul3A_161 : i32
        %mul3A_164 = arith.constant 16 : i32
        %mul3A_165 = arith.muli %add3A_163, %mul3A_164 : i32
        %get3A_166 = arith.constant 0 : i32
        %get3A_167 = arith.index_cast %get3A_166 : i32 to index
        %get3A_168 = arith.index_cast %mul3A_165 : i32 to index
        %get3A_169 = tpu.vector_load %arg7[%get3A_167, %get3A_168] {strides = array<i32>} : memref<2x8192xf32, #tpu.memory_space<vmem>>, vector<16xf32>,
        %max3A_170 = arith.constant -8.000000e+00 : f32
        %max3A_171 = vector.broadcast %max3A_170 : f32 to vector<16xf32>
        %max3A_172 = arith.maximumf %get3A_169, %max3A_171 : vector<16xf32>
        %mul3A_173 = arith.constant 1.14285719 : f32
        %mul3A_174 = vector.broadcast %mul3A_173 : f32 to vector<16xf32>
        %mul3A_175 = arith.mulf %max3A_172, %mul3A_174 : vector<16xf32>
        %add3A_176 = arith.constant 9.14285755 : f32
        %add3A_177 = vector.broadcast %add3A_176 : f32 to vector<16xf32>
        %add3A_178 = arith.addf %mul3A_175, %add3A_177 : vector<16xf32>
        %convert_element_type3A_179 = arith.fptosi %add3A_178 : vector<16xf32> to vector<16xi32>
        %min3A_180 = arith.constant 15 : i32
        %min3A_181 = vector.broadcast %min3A_180 : i32 to vector<16xi32>
        %min3A_182 = arith.minsi %convert_element_type3A_179, %min3A_181 : vector<16xi32>
        %gt3A_183 = arith.constant 6.000000e+00 : f32
        %gt3A_184 = vector.broadcast %gt3A_183 : f32 to vector<16xf32>
        %gt3A_185 = arith.cmpf ogt, %max3A_172, %gt3A_184 : vector<16xf32>
        %jit3A_186 = arith.constant 16 : i32
        %broadcast_in_dim3A_187 = vector.broadcast %jit3A_186 : i32 to vector<16xi32>
        %select_n3A_188 = arith.select %gt3A_185, %broadcast_in_dim3A_187, %min3A_182 : vector<16xi1>, vector<16xi32>
        %gather3A_189 = tpu.vector_load_idx %arg5[%select_n3A_188] : memref<32xf32, #tpu.memory_space<vmem>>[vector<16xi32>], vector<16xf32>,
        %gather3A_190 = tpu.vector_load_idx %arg6[%select_n3A_188] : memref<32xf32, #tpu.memory_space<vmem>>[vector<16xi32>], vector<16xf32>,
        %mul3A_191 = arith.mulf %gather3A_189, %max3A_172 : vector<16xf32>
        %add3A_192 = arith.addf %mul3A_191, %gather3A_190 : vector<16xf32>
        %swap3A_193 = arith.constant 0 : i32
        %swap3A_194 = arith.index_cast %swap3A_193 : i32 to index
        %swap3A_195 = arith.index_cast %mul3A_165 : i32 to index
        %swap3A_196 = tpu.vector_load %arg8[%swap3A_194, %swap3A_195] {strides = array<i32>} : memref<2x8192xf32, #tpu.memory_space<vmem>>, vector<16xf32>,
        tpu.vector_store %arg8[%swap3A_194, %swap3A_195], %add3A_192 {strides = array<i32>} : memref<2x8192xf32, #tpu.memory_space<vmem>>, vector<16xf32>,
        %scan3A_197 = arith.constant 2 : i32
        %scan3A_198 = arith.addi %scan3A_129, %scan3A_197 : i32
        %mul3A_199 = arith.constant 1 : i32
        %mul3A_200 = arith.muli %scan3A_198, %mul3A_199 : i32
        %add3A_201 = arith.constant 0 : i32
        %add3A_202 = arith.addi %add3A_201, %mul3A_200 : i32
        %mul3A_203 = arith.constant 16 : i32
        %mul3A_204 = arith.muli %add3A_202, %mul3A_203 : i32
        %get3A_205 = arith.constant 0 : i32
        %get3A_206 = arith.index_cast %get3A_205 : i32 to index
        %get3A_207 = arith.index_cast %mul3A_204 : i32 to index
        %get3A_208 = tpu.vector_load %arg7[%get3A_206, %get3A_207] {strides = array<i32>} : memref<2x8192xf32, #tpu.memory_space<vmem>>, vector<16xf32>,
        %max3A_209 = arith.constant -8.000000e+00 : f32
        %max3A_210 = vector.broadcast %max3A_209 : f32 to vector<16xf32>
        %max3A_211 = arith.maximumf %get3A_208, %max3A_210 : vector<16xf32>
        %mul3A_212 = arith.constant 1.14285719 : f32
        %mul3A_213 = vector.broadcast %mul3A_212 : f32 to vector<16xf32>
        %mul3A_214 = arith.mulf %max3A_211, %mul3A_213 : vector<16xf32>
        %add3A_215 = arith.constant 9.14285755 : f32
        %add3A_216 = vector.broadcast %add3A_215 : f32 to vector<16xf32>
        %add3A_217 = arith.addf %mul3A_214, %add3A_216 : vector<16xf32>
        %convert_element_type3A_218 = arith.fptosi %add3A_217 : vector<16xf32> to vector<16xi32>
        %min3A_219 = arith.constant 15 : i32
        %min3A_220 = vector.broadcast %min3A_219 : i32 to vector<16xi32>
        %min3A_221 = arith.minsi %convert_element_type3A_218, %min3A_220 : vector<16xi32>
        %gt3A_222 = arith.constant 6.000000e+00 : f32
        %gt3A_223 = vector.broadcast %gt3A_222 : f32 to vector<16xf32>
        %gt3A_224 = arith.cmpf ogt, %max3A_211, %gt3A_223 : vector<16xf32>
        %jit3A_225 = arith.constant 16 : i32
        %broadcast_in_dim3A_226 = vector.broadcast %jit3A_225 : i32 to vector<16xi32>
        %select_n3A_227 = arith.select %gt3A_224, %broadcast_in_dim3A_226, %min3A_221 : vector<16xi1>, vector<16xi32>
        %gather3A_228 = tpu.vector_load_idx %arg5[%select_n3A_227] : memref<32xf32, #tpu.memory_space<vmem>>[vector<16xi32>], vector<16xf32>,
        %gather3A_229 = tpu.vector_load_idx %arg6[%select_n3A_227] : memref<32xf32, #tpu.memory_space<vmem>>[vector<16xi32>], vector<16xf32>,
        %mul3A_230 = arith.mulf %gather3A_228, %max3A_211 : vector<16xf32>
        %add3A_231 = arith.addf %mul3A_230, %gather3A_229 : vector<16xf32>
        %swap3A_232 = arith.constant 0 : i32
        %swap3A_233 = arith.index_cast %swap3A_232 : i32 to index
        %swap3A_234 = arith.index_cast %mul3A_204 : i32 to index
        %swap3A_235 = tpu.vector_load %arg8[%swap3A_233, %swap3A_234] {strides = array<i32>} : memref<2x8192xf32, #tpu.memory_space<vmem>>, vector<16xf32>,
        tpu.vector_store %arg8[%swap3A_233, %swap3A_234], %add3A_231 {strides = array<i32>} : memref<2x8192xf32, #tpu.memory_space<vmem>>, vector<16xf32>,
        %scan3A_236 = arith.constant 3 : i32
        %scan3A_237 = arith.addi %scan3A_129, %scan3A_236 : i32
        %mul3A_238 = arith.constant 1 : i32
        %mul3A_239 = arith.muli %scan3A_237, %mul3A_238 : i32
        %add3A_240 = arith.constant 0 : i32
        %add3A_241 = arith.addi %add3A_240, %mul3A_239 : i32
        %mul3A_242 = arith.constant 16 : i32
        %mul3A_243 = arith.muli %add3A_241, %mul3A_242 : i32
        %get3A_244 = arith.constant 0 : i32
        %get3A_245 = arith.index_cast %get3A_244 : i32 to index
        %get3A_246 = arith.index_cast %mul3A_243 : i32 to index
        %get3A_247 = tpu.vector_load %arg7[%get3A_245, %get3A_246] {strides = array<i32>} : memref<2x8192xf32, #tpu.memory_space<vmem>>, vector<16xf32>,
        %max3A_248 = arith.constant -8.000000e+00 : f32
        %max3A_249 = vector.broadcast %max3A_248 : f32 to vector<16xf32>
        %max3A_250 = arith.maximumf %get3A_247, %max3A_249 : vector<16xf32>
        %mul3A_251 = arith.constant 1.14285719 : f32
        %mul3A_252 = vector.broadcast %mul3A_251 : f32 to vector<16xf32>
        %mul3A_253 = arith.mulf %max3A_250, %mul3A_252 : vector<16xf32>
        %add3A_254 = arith.constant 9.14285755 : f32
        %add3A_255 = vector.broadcast %add3A_254 : f32 to vector<16xf32>
        %add3A_256 = arith.addf %mul3A_253, %add3A_255 : vector<16xf32>
        %convert_element_type3A_257 = arith.fptosi %add3A_256 : vector<16xf32> to vector<16xi32>
        %min3A_258 = arith.constant 15 : i32
        %min3A_259 = vector.broadcast %min3A_258 : i32 to vector<16xi32>
        %min3A_260 = arith.minsi %convert_element_type3A_257, %min3A_259 : vector<16xi32>
        %gt3A_261 = arith.constant 6.000000e+00 : f32
        %gt3A_262 = vector.broadcast %gt3A_261 : f32 to vector<16xf32>
        %gt3A_263 = arith.cmpf ogt, %max3A_250, %gt3A_262 : vector<16xf32>
        %jit3A_264 = arith.constant 16 : i32
        %broadcast_in_dim3A_265 = vector.broadcast %jit3A_264 : i32 to vector<16xi32>
        %select_n3A_266 = arith.select %gt3A_263, %broadcast_in_dim3A_265, %min3A_260 : vector<16xi1>, vector<16xi32>
        %gather3A_267 = tpu.vector_load_idx %arg5[%select_n3A_266] : memref<32xf32, #tpu.memory_space<vmem>>[vector<16xi32>], vector<16xf32>,
        %gather3A_268 = tpu.vector_load_idx %arg6[%select_n3A_266] : memref<32xf32, #tpu.memory_space<vmem>>[vector<16xi32>], vector<16xf32>,
        %mul3A_269 = arith.mulf %gather3A_267, %max3A_250 : vector<16xf32>
        %add3A_270 = arith.addf %mul3A_269, %gather3A_268 : vector<16xf32>
        %swap3A_271 = arith.constant 0 : i32
        %swap3A_272 = arith.index_cast %swap3A_271 : i32 to index
        %swap3A_273 = arith.index_cast %mul3A_243 : i32 to index
        %swap3A_274 = tpu.vector_load %arg8[%swap3A_272, %swap3A_273] {strides = array<i32>} : memref<2x8192xf32, #tpu.memory_space<vmem>>, vector<16xf32>,
        tpu.vector_store %arg8[%swap3A_272, %swap3A_273], %add3A_270 {strides = array<i32>} : memref<2x8192xf32, #tpu.memory_space<vmem>>, vector<16xf32>,
      }
      %scan3A_70 = arith.constant 512 : i32
      %mul3A_71 = arith.constant 8192 : i32
      %mul3A_72 = arith.muli %add3A_54, %mul3A_71 : i32
      %add3A_73 = arith.addi %mul3A_2, %mul3A_72 : i32
      %dma_start3A_74 = arith.constant 0 : i32
      %dma_start3A_75 = arith.constant 0 : i32
      %dma_start3A_76 = tpu.memref_slice %arg8[%dma_start3A_74, %dma_start3A_75] : memref<2x8192xf32, #tpu.memory_space<vmem>> -> memref<1x8192xf32, #tpu.memory_space<vmem>>
      %dma_start3A_77 = tpu.memref_squeeze %dma_start3A_76 : memref<1x8192xf32, #tpu.memory_space<vmem>> -> memref<8192xf32, #tpu.memory_space<vmem>>
      %dma_start3A_78 = tpu.memref_slice %arg4[%add3A_73] : memref<67108864xf32, #tpu.memory_space<hbm>> -> memref<8192xf32, #tpu.memory_space<hbm>>
      %dma_start3A_79 = tpu.memref_slice %arg4[%add3A_73] : memref<67108864xf32, #tpu.memory_space<hbm>> -> memref<8192xf32, #tpu.memory_space<hbm>>
      %dma_start3A_80 = arith.constant 0 : i32
      %dma_start3A_81 = tpu.memref_slice %arg8[%dma_start3A_74, %dma_start3A_80] : memref<2x8192xf32, #tpu.memory_space<vmem>> -> memref<1x8192xf32, #tpu.memory_space<vmem>>
      %dma_start3A_82 = tpu.memref_squeeze %dma_start3A_81 : memref<1x8192xf32, #tpu.memory_space<vmem>> -> memref<8192xf32, #tpu.memory_space<vmem>>
      tpu.enqueue_dma source(%dma_start3A_82 : memref<8192xf32, #tpu.memory_space<vmem>>) target(%dma_start3A_79 : memref<8192xf32, #tpu.memory_space<hbm>>) target_semaphore(%arg11 : memref<!tpu.dma_semaphore, #tpu.memory_space<semaphore_mem>>)
      %add3A_83 = arith.constant 2 : i32
      %add3A_84 = arith.addi %add3A_54, %add3A_83 : i32
      %lt3A = arith.constant 256 : i32
      %lt3A_85 = arith.cmpi slt, %add3A_84, %lt3A : i32
      %convert_element_type3A_86 = arith.extui %lt3A_85 : i1 to i32
      %cond3A_87 = arith.constant 0 : i32
      %cond3A_88 = arith.cmpi ne, %convert_element_type3A_86, %cond3A_87 : i32
      scf.if %cond3A_88 {
        %add3A_129 = arith.constant 2 : i32
        %add3A_130 = arith.addi %add3A_54, %add3A_129 : i32
        %mul3A_131 = arith.constant 8192 : i32
        %mul3A_132 = arith.muli %add3A_130, %mul3A_131 : i32
        %add3A_133 = arith.addi %mul3A_2, %mul3A_132 : i32
        %dma_start3A_134 = arith.constant 0 : i32
        %dma_start3A_135 = arith.constant 0 : i32
        %dma_start3A_136 = tpu.memref_slice %arg7[%dma_start3A_134, %dma_start3A_135] : memref<2x8192xf32, #tpu.memory_space<vmem>> -> memref<1x8192xf32, #tpu.memory_space<vmem>>
        %dma_start3A_137 = tpu.memref_squeeze %dma_start3A_136 : memref<1x8192xf32, #tpu.memory_space<vmem>> -> memref<8192xf32, #tpu.memory_space<vmem>>
        %dma_start3A_138 = tpu.memref_slice %arg2[%add3A_133] : memref<67108864xf32, #tpu.memory_space<hbm>> -> memref<8192xf32, #tpu.memory_space<hbm>>
        %dma_start3A_139 = arith.constant 0 : i32
        %dma_start3A_140 = tpu.memref_slice %arg7[%dma_start3A_134, %dma_start3A_139] : memref<2x8192xf32, #tpu.memory_space<vmem>> -> memref<1x8192xf32, #tpu.memory_space<vmem>>
        %dma_start3A_141 = tpu.memref_squeeze %dma_start3A_140 : memref<1x8192xf32, #tpu.memory_space<vmem>> -> memref<8192xf32, #tpu.memory_space<vmem>>
        %dma_start3A_142 = tpu.memref_slice %arg2[%add3A_133] : memref<67108864xf32, #tpu.memory_space<hbm>> -> memref<8192xf32, #tpu.memory_space<hbm>>
        tpu.enqueue_dma source(%dma_start3A_142 : memref<8192xf32, #tpu.memory_space<hbm>>) target(%dma_start3A_141 : memref<8192xf32, #tpu.memory_space<vmem>>) target_semaphore(%arg9 : memref<!tpu.dma_semaphore, #tpu.memory_space<semaphore_mem>>)
      } else {
      }
      %add3A_89 = arith.constant 1 : i32
      %add3A_90 = arith.addi %mul3A_52, %add3A_89 : i32
      %dma_wait3A_91 = arith.constant 1 : i32
      %dma_wait3A_92 = arith.constant 0 : i32
      %dma_wait3A_93 = tpu.memref_slice %arg7[%dma_wait3A_91, %dma_wait3A_92] : memref<2x8192xf32, #tpu.memory_space<vmem>> -> memref<1x8192xf32, #tpu.memory_space<vmem>>
      %dma_wait3A_94 = tpu.memref_squeeze %dma_wait3A_93 : memref<1x8192xf32, #tpu.memory_space<vmem>> -> memref<8192xf32, #tpu.memory_space<vmem>>
      %dma_wait3A_95 = tpu.memref_slice %arg2[%mul3A_2] : memref<67108864xf32, #tpu.memory_space<hbm>> -> memref<8192xf32, #tpu.memory_space<hbm>>
      %dma_wait3A_96 = arith.constant 0 : i32
      %dma_wait3A_97 = tpu.memref_slice %arg7[%dma_wait3A_91, %dma_wait3A_96] : memref<2x8192xf32, #tpu.memory_space<vmem>> -> memref<1x8192xf32, #tpu.memory_space<vmem>>
      %dma_wait3A_98 = tpu.memref_squeeze %dma_wait3A_97 : memref<1x8192xf32, #tpu.memory_space<vmem>> -> memref<8192xf32, #tpu.memory_space<vmem>>
      %dma_wait3A_99 = tpu.memref_slice %arg2[%mul3A_2] : memref<67108864xf32, #tpu.memory_space<hbm>> -> memref<8192xf32, #tpu.memory_space<hbm>>
      tpu.wait_dma2 semaphore(%arg10 : memref<!tpu.dma_semaphore, #tpu.memory_space<semaphore_mem>>) src(%dma_wait3A_99 : memref<8192xf32, #tpu.memory_space<hbm>>) dst(%dma_wait3A_98 : memref<8192xf32, #tpu.memory_space<vmem>>)
      %ge3A_100 = arith.constant 2 : i32
      %ge3A_101 = arith.cmpi sge, %add3A_90, %ge3A_100 : i32
      %convert_element_type3A_102 = arith.extui %ge3A_101 : i1 to i32
      %cond3A_103 = arith.constant 0 : i32
      %cond3A_104 = arith.cmpi ne, %convert_element_type3A_102, %cond3A_103 : i32
      scf.if %cond3A_104 {
        %dma_wait3A_129 = arith.constant 1 : i32
        %dma_wait3A_130 = arith.constant 0 : i32
        %dma_wait3A_131 = tpu.memref_slice %arg8[%dma_wait3A_129, %dma_wait3A_130] : memref<2x8192xf32, #tpu.memory_space<vmem>> -> memref<1x8192xf32, #tpu.memory_space<vmem>>
        %dma_wait3A_132 = tpu.memref_squeeze %dma_wait3A_131 : memref<1x8192xf32, #tpu.memory_space<vmem>> -> memref<8192xf32, #tpu.memory_space<vmem>>
        %dma_wait3A_133 = tpu.memref_slice %arg4[%mul3A_2] : memref<67108864xf32, #tpu.memory_space<hbm>> -> memref<8192xf32, #tpu.memory_space<hbm>>
        %dma_wait3A_134 = tpu.memref_slice %arg4[%mul3A_2] : memref<67108864xf32, #tpu.memory_space<hbm>> -> memref<8192xf32, #tpu.memory_space<hbm>>
        %dma_wait3A_135 = arith.constant 0 : i32
        %dma_wait3A_136 = tpu.memref_slice %arg8[%dma_wait3A_129, %dma_wait3A_135] : memref<2x8192xf32, #tpu.memory_space<vmem>> -> memref<1x8192xf32, #tpu.memory_space<vmem>>
        %dma_wait3A_137 = tpu.memref_squeeze %dma_wait3A_136 : memref<1x8192xf32, #tpu.memory_space<vmem>> -> memref<8192xf32, #tpu.memory_space<vmem>>
        tpu.wait_dma2 semaphore(%arg12 : memref<!tpu.dma_semaphore, #tpu.memory_space<semaphore_mem>>) src(%dma_wait3A_137 : memref<8192xf32, #tpu.memory_space<vmem>>) dst(%dma_wait3A_134 : memref<8192xf32, #tpu.memory_space<hbm>>)
      } else {
      }
      %scan3A_105 = arith.constant 0 : i32
      %scan3A_106 = arith.constant 512 : i32
      %scan3A_107 = arith.addi %scan3A_105, %scan3A_106 : i32
      %scan3A_108 = arith.constant 4 : i32
      scf.for %scan3A_129 = %scan3A_105 to %scan3A_107 step %scan3A_108  : i32 {
        %mul3A_130 = arith.constant 1 : i32
        %mul3A_131 = arith.muli %scan3A_129, %mul3A_130 : i32
        %add3A_132 = arith.constant 0 : i32
        %add3A_133 = arith.addi %add3A_132, %mul3A_131 : i32
        %mul3A_134 = arith.constant 16 : i32
        %mul3A_135 = arith.muli %add3A_133, %mul3A_134 : i32
        %get3A = arith.constant 1 : i32
        %get3A_136 = arith.index_cast %get3A : i32 to index
        %get3A_137 = arith.index_cast %mul3A_135 : i32 to index
        %get3A_138 = tpu.vector_load %arg7[%get3A_136, %get3A_137] {strides = array<i32>} : memref<2x8192xf32, #tpu.memory_space<vmem>>, vector<16xf32>,
        %max3A = arith.constant -8.000000e+00 : f32
        %max3A_139 = vector.broadcast %max3A : f32 to vector<16xf32>
        %max3A_140 = arith.maximumf %get3A_138, %max3A_139 : vector<16xf32>
        %mul3A_141 = arith.constant 1.14285719 : f32
        %mul3A_142 = vector.broadcast %mul3A_141 : f32 to vector<16xf32>
        %mul3A_143 = arith.mulf %max3A_140, %mul3A_142 : vector<16xf32>
        %add3A_144 = arith.constant 9.14285755 : f32
        %add3A_145 = vector.broadcast %add3A_144 : f32 to vector<16xf32>
        %add3A_146 = arith.addf %mul3A_143, %add3A_145 : vector<16xf32>
        %convert_element_type3A_147 = arith.fptosi %add3A_146 : vector<16xf32> to vector<16xi32>
        %min3A = arith.constant 15 : i32
        %min3A_148 = vector.broadcast %min3A : i32 to vector<16xi32>
        %min3A_149 = arith.minsi %convert_element_type3A_147, %min3A_148 : vector<16xi32>
        %gt3A = arith.constant 6.000000e+00 : f32
        %gt3A_150 = vector.broadcast %gt3A : f32 to vector<16xf32>
        %gt3A_151 = arith.cmpf ogt, %max3A_140, %gt3A_150 : vector<16xf32>
        %jit3A = arith.constant 16 : i32
        %broadcast_in_dim3A = vector.broadcast %jit3A : i32 to vector<16xi32>
        %select_n3A = arith.select %gt3A_151, %broadcast_in_dim3A, %min3A_149 : vector<16xi1>, vector<16xi32>
        %gather3A = tpu.vector_load_idx %arg5[%select_n3A] : memref<32xf32, #tpu.memory_space<vmem>>[vector<16xi32>], vector<16xf32>,
        %gather3A_152 = tpu.vector_load_idx %arg6[%select_n3A] : memref<32xf32, #tpu.memory_space<vmem>>[vector<16xi32>], vector<16xf32>,
        %mul3A_153 = arith.mulf %gather3A, %max3A_140 : vector<16xf32>
        %add3A_154 = arith.addf %mul3A_153, %gather3A_152 : vector<16xf32>
        %swap3A = arith.constant 1 : i32
        %swap3A_155 = arith.index_cast %swap3A : i32 to index
        %swap3A_156 = arith.index_cast %mul3A_135 : i32 to index
        %swap3A_157 = tpu.vector_load %arg8[%swap3A_155, %swap3A_156] {strides = array<i32>} : memref<2x8192xf32, #tpu.memory_space<vmem>>, vector<16xf32>,
        tpu.vector_store %arg8[%swap3A_155, %swap3A_156], %add3A_154 {strides = array<i32>} : memref<2x8192xf32, #tpu.memory_space<vmem>>, vector<16xf32>,
        %scan3A_158 = arith.constant 1 : i32
        %scan3A_159 = arith.addi %scan3A_129, %scan3A_158 : i32
        %mul3A_160 = arith.constant 1 : i32
        %mul3A_161 = arith.muli %scan3A_159, %mul3A_160 : i32
        %add3A_162 = arith.constant 0 : i32
        %add3A_163 = arith.addi %add3A_162, %mul3A_161 : i32
        %mul3A_164 = arith.constant 16 : i32
        %mul3A_165 = arith.muli %add3A_163, %mul3A_164 : i32
        %get3A_166 = arith.constant 1 : i32
        %get3A_167 = arith.index_cast %get3A_166 : i32 to index
        %get3A_168 = arith.index_cast %mul3A_165 : i32 to index
        %get3A_169 = tpu.vector_load %arg7[%get3A_167, %get3A_168] {strides = array<i32>} : memref<2x8192xf32, #tpu.memory_space<vmem>>, vector<16xf32>,
        %max3A_170 = arith.constant -8.000000e+00 : f32
        %max3A_171 = vector.broadcast %max3A_170 : f32 to vector<16xf32>
        %max3A_172 = arith.maximumf %get3A_169, %max3A_171 : vector<16xf32>
        %mul3A_173 = arith.constant 1.14285719 : f32
        %mul3A_174 = vector.broadcast %mul3A_173 : f32 to vector<16xf32>
        %mul3A_175 = arith.mulf %max3A_172, %mul3A_174 : vector<16xf32>
        %add3A_176 = arith.constant 9.14285755 : f32
        %add3A_177 = vector.broadcast %add3A_176 : f32 to vector<16xf32>
        %add3A_178 = arith.addf %mul3A_175, %add3A_177 : vector<16xf32>
        %convert_element_type3A_179 = arith.fptosi %add3A_178 : vector<16xf32> to vector<16xi32>
        %min3A_180 = arith.constant 15 : i32
        %min3A_181 = vector.broadcast %min3A_180 : i32 to vector<16xi32>
        %min3A_182 = arith.minsi %convert_element_type3A_179, %min3A_181 : vector<16xi32>
        %gt3A_183 = arith.constant 6.000000e+00 : f32
        %gt3A_184 = vector.broadcast %gt3A_183 : f32 to vector<16xf32>
        %gt3A_185 = arith.cmpf ogt, %max3A_172, %gt3A_184 : vector<16xf32>
        %jit3A_186 = arith.constant 16 : i32
        %broadcast_in_dim3A_187 = vector.broadcast %jit3A_186 : i32 to vector<16xi32>
        %select_n3A_188 = arith.select %gt3A_185, %broadcast_in_dim3A_187, %min3A_182 : vector<16xi1>, vector<16xi32>
        %gather3A_189 = tpu.vector_load_idx %arg5[%select_n3A_188] : memref<32xf32, #tpu.memory_space<vmem>>[vector<16xi32>], vector<16xf32>,
        %gather3A_190 = tpu.vector_load_idx %arg6[%select_n3A_188] : memref<32xf32, #tpu.memory_space<vmem>>[vector<16xi32>], vector<16xf32>,
        %mul3A_191 = arith.mulf %gather3A_189, %max3A_172 : vector<16xf32>
        %add3A_192 = arith.addf %mul3A_191, %gather3A_190 : vector<16xf32>
        %swap3A_193 = arith.constant 1 : i32
        %swap3A_194 = arith.index_cast %swap3A_193 : i32 to index
        %swap3A_195 = arith.index_cast %mul3A_165 : i32 to index
        %swap3A_196 = tpu.vector_load %arg8[%swap3A_194, %swap3A_195] {strides = array<i32>} : memref<2x8192xf32, #tpu.memory_space<vmem>>, vector<16xf32>,
        tpu.vector_store %arg8[%swap3A_194, %swap3A_195], %add3A_192 {strides = array<i32>} : memref<2x8192xf32, #tpu.memory_space<vmem>>, vector<16xf32>,
        %scan3A_197 = arith.constant 2 : i32
        %scan3A_198 = arith.addi %scan3A_129, %scan3A_197 : i32
        %mul3A_199 = arith.constant 1 : i32
        %mul3A_200 = arith.muli %scan3A_198, %mul3A_199 : i32
        %add3A_201 = arith.constant 0 : i32
        %add3A_202 = arith.addi %add3A_201, %mul3A_200 : i32
        %mul3A_203 = arith.constant 16 : i32
        %mul3A_204 = arith.muli %add3A_202, %mul3A_203 : i32
        %get3A_205 = arith.constant 1 : i32
        %get3A_206 = arith.index_cast %get3A_205 : i32 to index
        %get3A_207 = arith.index_cast %mul3A_204 : i32 to index
        %get3A_208 = tpu.vector_load %arg7[%get3A_206, %get3A_207] {strides = array<i32>} : memref<2x8192xf32, #tpu.memory_space<vmem>>, vector<16xf32>,
        %max3A_209 = arith.constant -8.000000e+00 : f32
        %max3A_210 = vector.broadcast %max3A_209 : f32 to vector<16xf32>
        %max3A_211 = arith.maximumf %get3A_208, %max3A_210 : vector<16xf32>
        %mul3A_212 = arith.constant 1.14285719 : f32
        %mul3A_213 = vector.broadcast %mul3A_212 : f32 to vector<16xf32>
        %mul3A_214 = arith.mulf %max3A_211, %mul3A_213 : vector<16xf32>
        %add3A_215 = arith.constant 9.14285755 : f32
        %add3A_216 = vector.broadcast %add3A_215 : f32 to vector<16xf32>
        %add3A_217 = arith.addf %mul3A_214, %add3A_216 : vector<16xf32>
        %convert_element_type3A_218 = arith.fptosi %add3A_217 : vector<16xf32> to vector<16xi32>
        %min3A_219 = arith.constant 15 : i32
        %min3A_220 = vector.broadcast %min3A_219 : i32 to vector<16xi32>
        %min3A_221 = arith.minsi %convert_element_type3A_218, %min3A_220 : vector<16xi32>
        %gt3A_222 = arith.constant 6.000000e+00 : f32
        %gt3A_223 = vector.broadcast %gt3A_222 : f32 to vector<16xf32>
        %gt3A_224 = arith.cmpf ogt, %max3A_211, %gt3A_223 : vector<16xf32>
        %jit3A_225 = arith.constant 16 : i32
        %broadcast_in_dim3A_226 = vector.broadcast %jit3A_225 : i32 to vector<16xi32>
        %select_n3A_227 = arith.select %gt3A_224, %broadcast_in_dim3A_226, %min3A_221 : vector<16xi1>, vector<16xi32>
        %gather3A_228 = tpu.vector_load_idx %arg5[%select_n3A_227] : memref<32xf32, #tpu.memory_space<vmem>>[vector<16xi32>], vector<16xf32>,
        %gather3A_229 = tpu.vector_load_idx %arg6[%select_n3A_227] : memref<32xf32, #tpu.memory_space<vmem>>[vector<16xi32>], vector<16xf32>,
        %mul3A_230 = arith.mulf %gather3A_228, %max3A_211 : vector<16xf32>
        %add3A_231 = arith.addf %mul3A_230, %gather3A_229 : vector<16xf32>
        %swap3A_232 = arith.constant 1 : i32
        %swap3A_233 = arith.index_cast %swap3A_232 : i32 to index
        %swap3A_234 = arith.index_cast %mul3A_204 : i32 to index
        %swap3A_235 = tpu.vector_load %arg8[%swap3A_233, %swap3A_234] {strides = array<i32>} : memref<2x8192xf32, #tpu.memory_space<vmem>>, vector<16xf32>,
        tpu.vector_store %arg8[%swap3A_233, %swap3A_234], %add3A_231 {strides = array<i32>} : memref<2x8192xf32, #tpu.memory_space<vmem>>, vector<16xf32>,
        %scan3A_236 = arith.constant 3 : i32
        %scan3A_237 = arith.addi %scan3A_129, %scan3A_236 : i32
        %mul3A_238 = arith.constant 1 : i32
        %mul3A_239 = arith.muli %scan3A_237, %mul3A_238 : i32
        %add3A_240 = arith.constant 0 : i32
        %add3A_241 = arith.addi %add3A_240, %mul3A_239 : i32
        %mul3A_242 = arith.constant 16 : i32
        %mul3A_243 = arith.muli %add3A_241, %mul3A_242 : i32
        %get3A_244 = arith.constant 1 : i32
        %get3A_245 = arith.index_cast %get3A_244 : i32 to index
        %get3A_246 = arith.index_cast %mul3A_243 : i32 to index
        %get3A_247 = tpu.vector_load %arg7[%get3A_245, %get3A_246] {strides = array<i32>} : memref<2x8192xf32, #tpu.memory_space<vmem>>, vector<16xf32>,
        %max3A_248 = arith.constant -8.000000e+00 : f32
        %max3A_249 = vector.broadcast %max3A_248 : f32 to vector<16xf32>
        %max3A_250 = arith.maximumf %get3A_247, %max3A_249 : vector<16xf32>
        %mul3A_251 = arith.constant 1.14285719 : f32
        %mul3A_252 = vector.broadcast %mul3A_251 : f32 to vector<16xf32>
        %mul3A_253 = arith.mulf %max3A_250, %mul3A_252 : vector<16xf32>
        %add3A_254 = arith.constant 9.14285755 : f32
        %add3A_255 = vector.broadcast %add3A_254 : f32 to vector<16xf32>
        %add3A_256 = arith.addf %mul3A_253, %add3A_255 : vector<16xf32>
        %convert_element_type3A_257 = arith.fptosi %add3A_256 : vector<16xf32> to vector<16xi32>
        %min3A_258 = arith.constant 15 : i32
        %min3A_259 = vector.broadcast %min3A_258 : i32 to vector<16xi32>
        %min3A_260 = arith.minsi %convert_element_type3A_257, %min3A_259 : vector<16xi32>
        %gt3A_261 = arith.constant 6.000000e+00 : f32
        %gt3A_262 = vector.broadcast %gt3A_261 : f32 to vector<16xf32>
        %gt3A_263 = arith.cmpf ogt, %max3A_250, %gt3A_262 : vector<16xf32>
        %jit3A_264 = arith.constant 16 : i32
        %broadcast_in_dim3A_265 = vector.broadcast %jit3A_264 : i32 to vector<16xi32>
        %select_n3A_266 = arith.select %gt3A_263, %broadcast_in_dim3A_265, %min3A_260 : vector<16xi1>, vector<16xi32>
        %gather3A_267 = tpu.vector_load_idx %arg5[%select_n3A_266] : memref<32xf32, #tpu.memory_space<vmem>>[vector<16xi32>], vector<16xf32>,
        %gather3A_268 = tpu.vector_load_idx %arg6[%select_n3A_266] : memref<32xf32, #tpu.memory_space<vmem>>[vector<16xi32>], vector<16xf32>,
        %mul3A_269 = arith.mulf %gather3A_267, %max3A_250 : vector<16xf32>
        %add3A_270 = arith.addf %mul3A_269, %gather3A_268 : vector<16xf32>
        %swap3A_271 = arith.constant 1 : i32
        %swap3A_272 = arith.index_cast %swap3A_271 : i32 to index
        %swap3A_273 = arith.index_cast %mul3A_243 : i32 to index
        %swap3A_274 = tpu.vector_load %arg8[%swap3A_272, %swap3A_273] {strides = array<i32>} : memref<2x8192xf32, #tpu.memory_space<vmem>>, vector<16xf32>,
        tpu.vector_store %arg8[%swap3A_272, %swap3A_273], %add3A_270 {strides = array<i32>} : memref<2x8192xf32, #tpu.memory_space<vmem>>, vector<16xf32>,
      }
      %scan3A_109 = arith.constant 512 : i32
      %mul3A_110 = arith.constant 8192 : i32
      %mul3A_111 = arith.muli %add3A_90, %mul3A_110 : i32
      %add3A_112 = arith.addi %mul3A_2, %mul3A_111 : i32
      %dma_start3A_113 = arith.constant 1 : i32
      %dma_start3A_114 = arith.constant 0 : i32
      %dma_start3A_115 = tpu.memref_slice %arg8[%dma_start3A_113, %dma_start3A_114] : memref<2x8192xf32, #tpu.memory_space<vmem>> -> memref<1x8192xf32, #tpu.memory_space<vmem>>
      %dma_start3A_116 = tpu.memref_squeeze %dma_start3A_115 : memref<1x8192xf32, #tpu.memory_space<vmem>> -> memref<8192xf32, #tpu.memory_space<vmem>>
      %dma_start3A_117 = tpu.memref_slice %arg4[%add3A_112] : memref<67108864xf32, #tpu.memory_space<hbm>> -> memref<8192xf32, #tpu.memory_space<hbm>>
      %dma_start3A_118 = tpu.memref_slice %arg4[%add3A_112] : memref<67108864xf32, #tpu.memory_space<hbm>> -> memref<8192xf32, #tpu.memory_space<hbm>>
      %dma_start3A_119 = arith.constant 0 : i32
      %dma_start3A_120 = tpu.memref_slice %arg8[%dma_start3A_113, %dma_start3A_119] : memref<2x8192xf32, #tpu.memory_space<vmem>> -> memref<1x8192xf32, #tpu.memory_space<vmem>>
      %dma_start3A_121 = tpu.memref_squeeze %dma_start3A_120 : memref<1x8192xf32, #tpu.memory_space<vmem>> -> memref<8192xf32, #tpu.memory_space<vmem>>
      tpu.enqueue_dma source(%dma_start3A_121 : memref<8192xf32, #tpu.memory_space<vmem>>) target(%dma_start3A_118 : memref<8192xf32, #tpu.memory_space<hbm>>) target_semaphore(%arg12 : memref<!tpu.dma_semaphore, #tpu.memory_space<semaphore_mem>>)
      %add3A_122 = arith.constant 2 : i32
      %add3A_123 = arith.addi %add3A_90, %add3A_122 : i32
      %lt3A_124 = arith.constant 256 : i32
      %lt3A_125 = arith.cmpi slt, %add3A_123, %lt3A_124 : i32
      %convert_element_type3A_126 = arith.extui %lt3A_125 : i1 to i32
      %cond3A_127 = arith.constant 0 : i32
      %cond3A_128 = arith.cmpi ne, %convert_element_type3A_126, %cond3A_127 : i32
      scf.if %cond3A_128 {
        %add3A_129 = arith.constant 2 : i32
        %add3A_130 = arith.addi %add3A_90, %add3A_129 : i32
        %mul3A_131 = arith.constant 8192 : i32
        %mul3A_132 = arith.muli %add3A_130, %mul3A_131 : i32
        %add3A_133 = arith.addi %mul3A_2, %mul3A_132 : i32
        %dma_start3A_134 = arith.constant 1 : i32
        %dma_start3A_135 = arith.constant 0 : i32
        %dma_start3A_136 = tpu.memref_slice %arg7[%dma_start3A_134, %dma_start3A_135] : memref<2x8192xf32, #tpu.memory_space<vmem>> -> memref<1x8192xf32, #tpu.memory_space<vmem>>
        %dma_start3A_137 = tpu.memref_squeeze %dma_start3A_136 : memref<1x8192xf32, #tpu.memory_space<vmem>> -> memref<8192xf32, #tpu.memory_space<vmem>>
        %dma_start3A_138 = tpu.memref_slice %arg2[%add3A_133] : memref<67108864xf32, #tpu.memory_space<hbm>> -> memref<8192xf32, #tpu.memory_space<hbm>>
        %dma_start3A_139 = arith.constant 0 : i32
        %dma_start3A_140 = tpu.memref_slice %arg7[%dma_start3A_134, %dma_start3A_139] : memref<2x8192xf32, #tpu.memory_space<vmem>> -> memref<1x8192xf32, #tpu.memory_space<vmem>>
        %dma_start3A_141 = tpu.memref_squeeze %dma_start3A_140 : memref<1x8192xf32, #tpu.memory_space<vmem>> -> memref<8192xf32, #tpu.memory_space<vmem>>
        %dma_start3A_142 = tpu.memref_slice %arg2[%add3A_133] : memref<67108864xf32, #tpu.memory_space<hbm>> -> memref<8192xf32, #tpu.memory_space<hbm>>
        tpu.enqueue_dma source(%dma_start3A_142 : memref<8192xf32, #tpu.memory_space<hbm>>) target(%dma_start3A_141 : memref<8192xf32, #tpu.memory_space<vmem>>) target_semaphore(%arg10 : memref<!tpu.dma_semaphore, #tpu.memory_space<semaphore_mem>>)
      } else {
      }
    }
    %scan3A_28 = arith.constant 128 : i32
    %dma_wait3A = arith.constant 0 : i32
    %dma_wait3A_29 = arith.constant 0 : i32
    %dma_wait3A_30 = tpu.memref_slice %arg8[%dma_wait3A, %dma_wait3A_29] : memref<2x8192xf32, #tpu.memory_space<vmem>> -> memref<1x8192xf32, #tpu.memory_space<vmem>>
    %dma_wait3A_31 = tpu.memref_squeeze %dma_wait3A_30 : memref<1x8192xf32, #tpu.memory_space<vmem>> -> memref<8192xf32, #tpu.memory_space<vmem>>
    %dma_wait3A_32 = tpu.memref_slice %arg4[%mul3A_2] : memref<67108864xf32, #tpu.memory_space<hbm>> -> memref<8192xf32, #tpu.memory_space<hbm>>
    %dma_wait3A_33 = tpu.memref_slice %arg4[%mul3A_2] : memref<67108864xf32, #tpu.memory_space<hbm>> -> memref<8192xf32, #tpu.memory_space<hbm>>
    %dma_wait3A_34 = arith.constant 0 : i32
    %dma_wait3A_35 = tpu.memref_slice %arg8[%dma_wait3A, %dma_wait3A_34] : memref<2x8192xf32, #tpu.memory_space<vmem>> -> memref<1x8192xf32, #tpu.memory_space<vmem>>
    %dma_wait3A_36 = tpu.memref_squeeze %dma_wait3A_35 : memref<1x8192xf32, #tpu.memory_space<vmem>> -> memref<8192xf32, #tpu.memory_space<vmem>>
    tpu.wait_dma2 semaphore(%arg11 : memref<!tpu.dma_semaphore, #tpu.memory_space<semaphore_mem>>) src(%dma_wait3A_36 : memref<8192xf32, #tpu.memory_space<vmem>>) dst(%dma_wait3A_33 : memref<8192xf32, #tpu.memory_space<hbm>>)
    %dma_wait3A_37 = arith.constant 1 : i32
    %dma_wait3A_38 = arith.constant 0 : i32
    %dma_wait3A_39 = tpu.memref_slice %arg8[%dma_wait3A_37, %dma_wait3A_38] : memref<2x8192xf32, #tpu.memory_space<vmem>> -> memref<1x8192xf32, #tpu.memory_space<vmem>>
    %dma_wait3A_40 = tpu.memref_squeeze %dma_wait3A_39 : memref<1x8192xf32, #tpu.memory_space<vmem>> -> memref<8192xf32, #tpu.memory_space<vmem>>
    %dma_wait3A_41 = tpu.memref_slice %arg4[%mul3A_2] : memref<67108864xf32, #tpu.memory_space<hbm>> -> memref<8192xf32, #tpu.memory_space<hbm>>
    %dma_wait3A_42 = tpu.memref_slice %arg4[%mul3A_2] : memref<67108864xf32, #tpu.memory_space<hbm>> -> memref<8192xf32, #tpu.memory_space<hbm>>
    %dma_wait3A_43 = arith.constant 0 : i32
    %dma_wait3A_44 = tpu.memref_slice %arg8[%dma_wait3A_37, %dma_wait3A_43] : memref<2x8192xf32, #tpu.memory_space<vmem>> -> memref<1x8192xf32, #tpu.memory_space<vmem>>
    %dma_wait3A_45 = tpu.memref_squeeze %dma_wait3A_44 : memref<1x8192xf32, #tpu.memory_space<vmem>> -> memref<8192xf32, #tpu.memory_space<vmem>>
    tpu.wait_dma2 semaphore(%arg12 : memref<!tpu.dma_semaphore, #tpu.memory_space<semaphore_mem>>) src(%dma_wait3A_45 : memref<8192xf32, #tpu.memory_space<vmem>>) dst(%dma_wait3A_42 : memref<8192xf32, #tpu.memory_space<hbm>>)
    return
  }
}

</mosaic_0001>

<sc_bundles>
// kernel: _run.3.cloned.1.call-start
scs
__scs_entry_jumppad:
0x0: {  	(pc) =	sbr.rel $0x88, $3  }
0x1: {  	(tag) =	ssettag $0x0;
	lr =	simm.s32 $0x1  }
0x2: {  	[smem:$0x3F9F] =	sst lr;
	_ =	strace $0xD0000000  }
0x3: {  	_ = 	snop  }
0x4: {  	_ = 	snop  }
0x5: {  	_ = 	snop  }
0x6: {  	_ = 	snop  }
0x7: {  	_ = 	snop  }
__scs_overlays_trampoline_lowered:
0x8: {  	[smem:$0x3FAE] =	sst s0  }
0x9: {  	[smem:$0x3FAF] =	sst s1  }
0xa: {  	[smem:$0x3FB0] =	sst s2  }
0xb: {  	[smem:$0x3FB1] =	sst s3  }
0xc: {  	[smem:$0x3FB2] =	sst s4  }
0xd: {  	[smem:$0x3FB3] =	sst s5  }
0xe: {  	[smem:$0x3FB4] =	sst s6  }
0xf: {  	[smem:$0x3FB5] =	sst s7  }
0x10: {  	[smem:$0x3FB6] =	sst s8  }
0x11: {  	[smem:$0x3FB7] =	sst s9;
	s0 =	simm.s32 @!p0 $0x0  }
0x12: {  	s1 =	sld [smem:$0x3F9D];
	s0 =	simm.s32 @p0 $0x1  }
0x13: {  	[smem:$0x3FB8] =	sst s0;
	s0 =	simm.s32 @!p1 $0x0  }
0x14: {  	s2 =	sld [smem:$0x3F9C];
	s0 =	simm.s32 @p1 $0x1  }
0x15: {  	[smem:$0x3FB9] =	sst s0;
	s0 =	simm.s32 @!p2 $0x0  }
0x16: {  	s3 =	sld [smem:$0x3FDB];
	s0 =	simm.s32 @p2 $0x1  }
0x17: {  	s4 =	simm.s32 $0x1BF5;
	[smem:$0x3FBB] =	sst s0  }
0x18: {  	s0 =	sld [smem:$0x3F9E];
	_ =	swait.ge [sflag:s4], $0x0  }
0x19: {  	s7 =	sld [smem:$0x3F9F]  }
0x1a: {  	s8 =	sadd.s32 $0xFFFFE003, lr  }
0x1b: {  	s9 =	sadd.s32 $0xFFFFFEF7, lr;
	s5 =	simm.s32 $0xFFFFFFFF;
	p2 =	slt.u32 s8, $0xFFFFF086  }
0x1c: {  	p1 =	slt.u32 s9, $0xF7A;
	s5 =	simm.s32 @!p2 $0x0  }
0x1d: {  	s5 =	simm.s32 @p1 $0x1;
	p0 =	seq.s32 s7, s2  }
0x1e: {  	s7 =	smul.u32 @!p0 $0xF7A, s2;
	p2 =	seq.s32 @!p0 s5, $0x0  }
0x1f: {  	s9 =	smul.u32 $0xF7A, s1;
	s8 =	simm.s32 @!p0 $0x1BF5;
	p2 =	por !p2, p0  }
0x20: {  	[sflag:s8] =	ssyncset.s32 @!p0 $0xFFFFF086;
	s6 =	sadd.s32 @!p0 s3, s7;
	s7 =	simm.s32 @!p0 $0x108  }
0x21: {  	s3 =	sadd.s32 s3, s9;
	s6 =	sadd.s32 @!p0 $0x88, s6;
	s7 =	simm.s32 @p2 $0x1082  }
0x22: {  	[simem:s7], [sflag:s8] =	dma.local @!p0 [hbm:s6], $0xF7A  }
0x23: {  	s9 =	sor.u32 $0xD0000000, s2;
	s6 =	simm.s32 $0x108;
	_ =	swait.ge @!p0 [sflag:s8], $0x0  }
0x24: {  	s3 =	sadd.s32 $0x88, s3;
	s6 =	simm.s32 @!p1 $0x1082;
	[sflag:s4] =	ssyncset.s32 $0xFFFFF086  }
0x25: {  	[simem:s6], [sflag:s4] =	dma.local [hbm:s3], $0xF7A  }
0x26: {  	[smem:$0x3F9F] =	sst s1;
	(tag) =	ssettag s2;
	_ =	strace s9  }
0x27: {  	s1 =	sld [smem:$0x3FAF]  }
0x28: {  	s2 =	sld [smem:$0x3FB0]  }
0x29: {  	s4 =	sld [smem:$0x3FB2]  }
0x2a: {  	p0 =	seq.s32 s5, $0x0;
	s5 =	sld [smem:$0x3FB3]  }
0x2b: {  	s6 =	sld [smem:$0x3FB4]  }
0x2c: {  	s7 =	sld [smem:$0x3FB5]  }
0x2d: {  	s3 =	simm.s32 $0x108;
	s8 =	sld [smem:$0x3FB6]  }
0x2e: {  	s3 =	simm.s32 @!p0 $0x1082;
	s9 =	sld [smem:$0x3FB7]  }
0x2f: {  	lr =	sadd.s32 s0, s3;
	s0 =	sld [smem:$0x3FAE]  }
0x30: {  	s3 =	sld [smem:$0x3FB1]  }
0x31: {  	[smem:$0x3FBA] =	sst s10  }
0x32: {  	s10 =	sld [smem:$0x3FB8];
	_ =	sdelay $0x3  }
0x33: {  	p0 =	seq.s32 s10, $0x1;
	s10 =	sld [smem:$0x3FBA];
	_ =	sdelay $0x3  }
0x34: {  	[smem:$0x3FBA] =	sst s10  }
0x35: {  	s10 =	sld [smem:$0x3FB9];
	_ =	sdelay $0x3  }
0x36: {  	p1 =	seq.s32 s10, $0x1;
	s10 =	sld [smem:$0x3FBA];
	_ =	sdelay $0x3  }
0x37: {  	[smem:$0x3FBA] =	sst s10  }
0x38: {  	s10 =	sld [smem:$0x3FBB]  }
0x39: {  	_ = 	snop;
	(pc) =	sbr.ind lr, $3  }
0x3a: {  	_ = 	snop  }
0x3b: {  	_ = 	snop  }
0x3c: {  	p2 =	seq.s32 s10, $0x1;
	s10 =	sld [smem:$0x3FBA]  }
0x3d: {  	_ =	shalt  }
0x3e: {  	_ =	shalt  }
0x3f: {  	_ =	shalt  }
0x40: {  	_ =	shalt  }
0x41: {  	_ =	shalt  }
0x42: {  	_ =	shalt  }
0x43: {  	_ =	shalt  }
0x44: {  	_ =	shalt  }
0x45: {  	_ =	shalt  }
0x46: {  	_ =	shalt  }
0x47: {  	_ =	shalt  }
0x48: {  	_ =	shalt  }
0x49: {  	_ =	shalt  }
0x4a: {  	_ =	shalt  }
0x4b: {  	_ =	shalt  }
0x4c: {  	_ =	shalt  }
0x4d: {  	_ =	shalt  }
0x4e: {  	_ =	shalt  }
0x4f: {  	_ =	shalt  }
0x50: {  	_ =	shalt  }
0x51: {  	_ =	shalt  }
0x52: {  	_ =	shalt  }
0x53: {  	_ =	shalt  }
0x54: {  	_ =	shalt  }
0x55: {  	_ =	shalt  }
0x56: {  	_ =	shalt  }
0x57: {  	_ =	shalt  }
0x58: {  	_ =	shalt  }
0x59: {  	_ =	shalt  }
0x5a: {  	_ =	shalt  }
0x5b: {  	_ =	shalt  }
0x5c: {  	_ =	shalt  }
0x5d: {  	_ =	shalt  }
0x5e: {  	_ =	shalt  }
0x5f: {  	_ =	shalt  }
0x60: {  	_ =	shalt  }
0x61: {  	_ =	shalt  }
0x62: {  	_ =	shalt  }
0x63: {  	_ =	shalt  }
0x64: {  	_ =	shalt  }
0x65: {  	_ =	shalt  }
0x66: {  	_ =	shalt  }
0x67: {  	_ =	shalt  }
0x68: {  	_ =	shalt  }
0x69: {  	_ =	shalt  }
0x6a: {  	_ =	shalt  }
0x6b: {  	_ =	shalt  }
0x6c: {  	_ =	shalt  }
0x6d: {  	_ =	shalt  }
0x6e: {  	_ =	shalt  }
0x6f: {  	_ =	shalt  }
0x70: {  	_ =	shalt  }
0x71: {  	_ =	shalt  }
0x72: {  	_ =	shalt  }
0x73: {  	_ =	shalt  }
0x74: {  	_ =	shalt  }
0x75: {  	_ =	shalt  }
0x76: {  	_ =	shalt  }
0x77: {  	_ =	shalt  }
0x78: {  	_ =	shalt  }
0x79: {  	_ =	shalt  }
0x7a: {  	_ =	shalt  }
0x7b: {  	_ =	shalt  }
0x7c: {  	_ =	shalt  }
0x7d: {  	_ =	shalt  }
0x7e: {  	_ =	shalt  }
0x7f: {  	_ =	shalt  }
0x80: {  	_ =	shalt  }
0x81: {  	_ =	shalt  }
0x82: {  	_ =	shalt  }
0x83: {  	_ =	shalt  }
0x84: {  	_ =	shalt  }
0x85: {  	_ =	shalt  }
0x86: {  	_ =	shalt  }
0x87: {  	_ =	shalt  }
.Lfunc_end0:
.L_simem_size_0:
called_computation_lowered:
.L_overlay_start_0:
0x88: {  	s2 =	sld [smem:$0x3FD9]  }
0x89: {  	s3 =	sld [smem:$0x3FFE];
	_ =	sdelay $0x1  }
0x8a: {  	s1 =	srdreg.scid  }
0x8b: {  	s0 =	sand.u32 $0x1, s1  }
0x8c: {  	s18 =	sshll.u32 s0, $0xA;
	s2 =	sadd.s32 s3, s2  }
0x8d: {  	s2 =	sadd.s32 s2, s18  }
0x8e: {  	[smem:$0x3FC6] =	sst s2  }
0x8f: {  	_ = 	snop  }
0x90: {  	s2 =	sld [smem:$0x3FC9]  }
0x91: {  	s19 =	sld [smem:$0x3FC8]  }
0x92: {  	s4 =	sld [smem:$0x3FD0];
	(tm) =	ssettm $0x1  }
0x93: {  	s5 =	sld [smem:$0x3FFB];
	_ =	sdelay $0x3  }
0x94: {  	_ =	strace s5  }
0x95: {  	s5 =	sld [smem:$0x3FFC];
	_ =	sdelay $0x3  }
0x96: {  	_ =	strace s5  }
0x97: {  	s5 =	sld [smem:$0x3FFD];
	_ =	sdelay $0x3  }
0x98: {  	_ =	strace s5  }
0x99: {  	_ =	strace $0x8FFFFFFF  }
0x9a: {  	s20 =	sld [smem:$0x3FDB];
	_ =	sdelay $0x1  }
0x9b: {  	s6 =	simm.s32 $_scs_section_size  }
0x9c: {  	s7 =	simm.s32 $_size__tile_overlayer_lowered;
	s8 =	simm.s32 $_tile_overlayer_lowered  }
0x9d: {  	s23 =	simm.s32 $0x1BFF;
	s22 =	sshll.u32 s8, $0x1;
	s5 =	sadd.s32 s6, s20  }
0x9e: {  	s9 =	simm.s32 $0x0;
	s21 =	sshll.u32 s7, $0x1;
	s7 =	sadd.s32 s22, s5  }
0x9f: {  	[timem:s9], [sflag:s23] =	dma.local [hbm:s7], s21  }
0xa0: {  	_ =	swait.ge [sflag:s23], s21  }
0xa1: {  	s6 =	ssub.s32 $0x0, s21;
	[sflag:s23] =	ssyncset.done $0x0  }
0xa2: {  	[sflag:s23] =	ssyncadd.s32 s6;
	_ =	sdelay $0x1  }
0xa3: {  	s24 =	simm.s32 $0x1B8B  }
0xa4: {  	_ =	swait.ge [sflag:s24], $0x1  }
0xa5: {  	[sflag:s24] =	ssyncset.done $0x0  }
0xa6: {  	s25 =	simm.s32 $0x1B8E;
	[sflag:s24] =	ssyncadd.s32 $0xFFFFFFFF  }
0xa7: {  	s26 =	simm.s32 $execute0_lowered;
	[smem:$0x3FD2] =	sst s25  }
0xa8: {  	s6 =	sshll.u32 s26, $0x1;
	_ =	strace $0x80000046;
	[dreg:$0x1] =	wrdreg $0xFFFFFFFF  }
0xa9: {  	s28 =	simm.s32 $_size_execute0_lowered;
	s5 =	sadd.s32 s5, s6;
	[dreg:$0x0] =	wrdreg $0x0  }
0xaa: {  	s6 =	sshll.u32 s28, $0x1;
	[dreg:$0x2] =	wrdreg s5  }
0xab: {  	[dreg:$0x3] =	wrdreg s6  }
0xac: {  	[dreg:$0x4] =	wrdreg $0xC0  }
0xad: {  	_ =	task [dreg:s9], $0x5FFFF  }
0xae: {  	[dreg:$0x1] =	wrdreg $0xFFFFFFFF  }
0xaf: {  	[dreg:$0x0] =	wrdreg $0x60  }
0xb0: {  	[dreg:$0x2] =	wrdreg s2  }
0xb1: {  	[dreg:$0x3] =	wrdreg s19  }
0xb2: {  	[dreg:$0x4] =	wrdreg s4  }
0xb3: {  	[dreg:$0x5] =	wrdreg $0x9  }
0xb4: {  	_ =	task.clear_ibuf [dreg:s9], $0x6FFFF;
	_ =	strace $0x90000046  }
0xb5: {  	s29 =	simm.s32 $0x9;
	_ =	strace $0x80000048  }
0xb6: {  	_ =	swait.ge [sflag:s29], $0x1  }
0xb7: {  	[sflag:s29] =	ssyncadd.s32 $0xFFFFFFFF  }
0xb8: {  	_ =	strace $0x90000048  }
0xb9: {  	_ =	sfence  }
0xba: {  	s30 =	sld [smem:$0x0];
	_ =	sdelay $0x2  }
0xbb: {  	s31 =	sshll.u32 s1, $0xD;
	s1 =	sshrl.u32 s1, $0x2  }
0xbc: {  	s3 =	sand.u32 $0x4000, s31;
	s1 =	sadd.s32 s1, s30  }
0xbd: {  	s0 =	sor.u32 s3, s0;
	s1 =	sshll.u32 s1, $0x11  }
0xbe: {  	s0 =	sor.u32 s1, s0  }
0xbf: {  	s0 =	sadd.s32 $0x8F2B, s0  }
0xc0: {  	[sflag:s0] =	ssyncadd.remote.s32 $0x1  }
0xc1: {  	_ =	sfence.sel $0xFFFF  }
0xc2: {  	[dreg:$0x0] =	wrdreg $0xFFFFFFFF;
	(pc) =	sbr.abs _section_cstart, $3  }
0xc3: {  	[dreg:$0x1] =	wrdreg $0xFFFFFFFF  }
0xc4: {  	_ =	task.clear_ibuf [dreg:s9], $0x2FFFF;
	_ =	strace $0x9FFFFFFF  }
0xc5: {  	(tm) =	ssettm $0x7FFFFFFF  }
tec
execute0_lowered:
.L_overlay_start_1:
0x0: {  	(tag) =	ssettag $0x1  }
0x1: {  	s2 =	rddreg [dreg:$0x0]  }
0x2: {  	s3 =	rddreg [dreg:$0x1]  }
0x3: {  	s0 =	srdreg.scid;
	s4 =	rddreg [dreg:$0x2]  }
0x4: {  	s1 =	stileid.u32;
	s5 =	simm.s32 $0x0;
	s13 =	simm.s32 $0x5  }
0x5: {  	s14 =	simm.s32 $0x80;
	s15 =	simm.s32 $0x1;
	s16 =	simm.s32 $0x2  }
0x6: {  	s17 =	simm.s32 $0x4;
	s18 =	simm.s32 $0x3;
	s19 =	simm.s32 $0x0  }
0x7: {  	s6 =	sand.u32 $0x1, s0;
	s0 =	rddreg [dreg:$0x3];
	s7 =	sshll.u32 s1, $0x16  }
.Ltmp0:
0x8: {  	s8 =	sshll.u32 s6, $0x15;
	s9 =	ssub.s32 $0x2, s6;
	(pc) =	sbr.rel .LBB2_1-.Ltmp0, $4  }
0x9: {  	[smem:$0x7FF] =	sst s5;
	s6 =	sor.u32 s8, s7;
	s31 =	sshrl.u32 s9, $0x1  }
0xa: {  	_ =	strace $0x80000047;
	s8 =	sshrl.u32 s6, $0x3;
	s12 =	ssub.s32 s9, s31  }
0xb: {  	s10 =	sor.u32 $0x4000, s6;
	s11 =	sor.u32 $0x6000, s6;
	s7 =	sadd.s32 s2, s8  }
0xc: {  	s8 =	sadd.s32 $0x10, s3;
	s12 =	smax.u32 s12, $0x1;
	s9 =	sadd.s32 $0x400, s7  }
.LBB2_24:
0xd: {  	s19 =	sadd.s32 $0x1, s19  }
0xe: {  	_ =	swait.ge [sflag:s18], $0x2000;
	p0 =	sne.s32 s19, s12  }
.Ltmp1:
0xf: {  	[sflag:s18] =	ssyncset.done $0x0;
	(pc) =	sbr.rel @!p0 .LBB2_25-.Ltmp1, $4  }
0x10: {  	[sflag:s18] =	ssyncadd.s32 $0xFFFFE000  }
0x11: {  	_ =	swait.ge [sflag:s17], $0x2000  }
0x12: {  	[sflag:s17] =	ssyncset.done $0x0  }
0x13: {  	[sflag:s17] =	ssyncadd.s32 $0xFFFFE000  }
.LBB2_1:
0x14: {  	[tilespmem:s5], [sflag:$0x5] =	stream.linear.gather [hbm4b:s3+s5], $0x80, $0x38;
	[tilespmem:$0x8100] =	vst v63  }
0x15: {  	_ =	swait.ge [sflag:s13], $0x80  }
0x16: {  	[sflag:s13] =	ssyncset.done $0x0  }
0x17: {  	[sflag:s13] =	ssyncadd.s32 $0xFFFFFF80  }
0x18: {  	[tilespmem:s14], [sflag:$0x5] =	stream.linear.gather [hbm4b:s8+s5], $0x80, $0x38;
	[tilespmem:$0x8100] =	vst v63  }
0x19: {  	_ =	swait.ge [sflag:s13], $0x80  }
0x1a: {  	s20 =	simm.s32 $0x100;
	s21 =	simm.s32 $0x10;
	[sflag:s13] =	ssyncset.done $0x0  }
0x1b: {  	s23 =	sadd.s32 $0x0, s7;
	s22 =	simm.s32 $0x200;
	[sflag:s13] =	ssyncadd.s32 $0xFFFFFF80  }
.LBB2_2:
0x1c: {  	[tilespmem:s20], [sflag:$0x1] =	stream.linear.gather [hbm4b:s23+s5], $0x80, $0x38;
	[tilespmem:$0x8100] =	vst v63  }
0x1d: {  	s23 =	smov.u32 s21;
	s20 =	smov.u32 s22;
	p0 =	sne.s32 s21, $0x3F0  }
.Ltmp2:
0x1e: {  	s21 =	sadd.s32 $0x10, s21;
	(pc) =	sbr.rel @p0 .LBB2_2-.Ltmp2, $2  }
0x1f: {  	_ =	sdelay $0x2  }
0x20: {  	s22 =	sadd.s32 $0x100, s22;
	s23 =	sadd.s32 s23, s7  }
0x21: {  	[tilespmem:s20], [sflag:$0x1] =	stream.linear.gather [hbm4b:s23+s5], $0x80, $0x38;
	[tilespmem:$0x8100] =	vst v63  }
0x22: {  	s20 =	simm.s32 $0x0;
	s21 =	simm.s32 $0x180  }
0x23: {  	s22 =	simm.s32 $0x10;
	s24 =	sadd.s32 $0x0, s9;
	s23 =	simm.s32 $0x280  }
.LBB2_4:
0x24: {  	[tilespmem:s21], [sflag:$0x2] =	stream.linear.gather [hbm4b:s24+s20], $0x80, $0x38;
	[tilespmem:$0x8100] =	vst v63  }
0x25: {  	s24 =	smov.u32 s22;
	s21 =	smov.u32 s23;
	p0 =	sne.s32 s22, $0x3F0  }
.Ltmp3:
0x26: {  	s22 =	sadd.s32 $0x10, s22;
	(pc) =	sbr.rel @p0 .LBB2_4-.Ltmp3, $2  }
0x27: {  	_ =	sdelay $0x2  }
0x28: {  	s23 =	sadd.s32 $0x100, s23;
	s24 =	sadd.s32 s24, s9  }
0x29: {  	[tilespmem:s21], [sflag:$0x2] =	stream.linear.gather [hbm4b:s24+s20], $0x80, $0x38;
	[tilespmem:$0x8100] =	vst v63  }
.LBB2_6:
0x2a: {  	_ =	swait.ge [sflag:s15], $0x2000  }
0x2b: {  	p0 =	seq.s32 s20, $0x0;
	[sflag:s15] =	ssyncset.done $0x0  }
0x2c: {  	s21 =	simm.s32 @!p0 $0x3;
	[sflag:s15] =	ssyncadd.s32 $0xFFFFE000  }
0x2d: {  	s22 =	simm.s32 $0x0;
	_ =	swait.ge @!p0 [sflag:s21], $0x2000  }
0x2e: {  	s23 =	sand.u32 $0x40, s22;
	s22 =	sand.u32 $0x3F00, s22;
	[sflag:s21] =	ssyncset.done @!p0 $0x0  }
0x2f: {  	s22 =	sor.u32 s23, s22;
	[sflag:s21] =	ssyncadd.s32 @!p0 $0xFFFFE000  }
0x30: {  	v0 =	vld [tilespmem:s22+$0x100];
	_ =	sdelay $0x4  }
0x31: {  	v0 =	vmax.f32 v0, $-8.000000000e+00  }
0x32: {  	v1 =	vmul.f32 $1.142857190e+00, v0;
	_ =	sdelay $0x1  }
0x33: {  	v1 =	vadd.f32 $9.142857550e+00, v1;
	_ =	sdelay $0x1  }
0x34: {  	v2 =	vld [tilespmem:s22+$0x110];
	v1 =	vtrunc.f32 v1  }
0x35: {  	v1 =	vcvt.f32.s32 v1;
	_ =	sdelay $0x1  }
0x36: {  	vm0 =	vlt.s32 v1, $0xF  }
0x37: {  	vm11 =	vgt.f32 v0, $6.000000000e+00;
	v1 =	vnsel vm0, $0xF, v1  }
0x38: {  	v2 =	vmax.f32 v2, $-8.000000000e+00;
	v1 =	vsel vm11, $0x10, v1  }
0x39: {  	v3 =	vmul.f32 $1.142857190e+00, v2;
	_ =	sdelay $0x1  }
0x3a: {  	v3 =	vadd.f32 $9.142857550e+00, v3;
	_ =	sdelay $0x1  }
0x3b: {  	v3 =	vtrunc.f32 v3;
	v4 =	vld.idx.msk [tilespmem:v1+s5+$0x0], $0xffff  }
0x3c: {  	v5 =	vld [tilespmem:s22+$0x120];
	v3 =	vcvt.f32.s32 v3  }
0x3d: {  	v1 =	vld.idx.msk [tilespmem:v1+s14+$0x0], $0xffff  }
0x3e: {  	vm12 =	vlt.s32 v3, $0xF  }
0x3f: {  	vm13 =	vgt.f32 v2, $6.000000000e+00;
	v3 =	vnsel vm12, $0xF, v3  }
0x40: {  	v3 =	vsel vm13, $0x10, v3;
	v4 =	vmul.f32 v0, v4  }
0x41: {  	v0 =	vmax.f32 v5, $-8.000000000e+00  }
0x42: {  	v1 =	vadd.f32 v1, v4;
	v4 =	vmul.f32 $1.142857190e+00, v0;
	_ =	sdelay $0x1  }
0x43: {  	[tilespmem:s22+$0x4100] =	vst v1;
	v1 =	vadd.f32 $9.142857550e+00, v4  }
0x44: {  	v4 =	vld.idx.msk [tilespmem:v3+s5+$0x0], $0xffff  }
0x45: {  	v1 =	vtrunc.f32 v1  }
0x46: {  	v5 =	vld [tilespmem:s22+$0x130];
	v1 =	vcvt.f32.s32 v1  }
0x47: {  	v3 =	vld.idx.msk [tilespmem:v3+s14+$0x0], $0xffff  }
0x48: {  	vm14 =	vlt.s32 v1, $0xF  }
0x49: {  	vm15 =	vgt.f32 v0, $6.000000000e+00;
	v4 =	vmul.f32 v2, v4;
	v2 =	vnsel vm14, $0xF, v1  }
0x4a: {  	v2 =	vsel vm15, $0x10, v2  }
0x4b: {  	v1 =	vmax.f32 v5, $-8.000000000e+00  }
0x4c: {  	s24 =	simm.s32 $0x80;
	v3 =	vadd.f32 v3, v4;
	v4 =	vmul.f32 $1.142857190e+00, v1  }
0x4d: {  	s25 =	simm.s32 $0x40;
	s23 =	simm.s32 $0x0;
	s21 =	sshll.u32 s20, $0xE  }
.LBB2_7:
0x4e: {  	s26 =	sand.u32 $0x40, s25;
	s28 =	sand.u32 $0x3F00, s24;
	[tilespmem:s22+$0x4110] =	vst v3;
	v3 =	vadd.f32 $9.142857550e+00, v4  }
0x4f: {  	s23 =	sadd.s32 $0x4, s23;
	s26 =	sor.u32 s26, s28;
	v4 =	vld.idx.msk [tilespmem:v2+s5+$0x0], $0xffff  }
0x50: {  	p1 =	slt.u32 s23, $0x1FC;
	v5 =	vld [tilespmem:s26+$0x100];
	v3 =	vtrunc.f32 v3  }
0x51: {  	v2 =	vld.idx.msk [tilespmem:v2+s14+$0x0], $0xffff;
	v3 =	vcvt.f32.s32 v3;
	_ =	sdelay $0x1  }
0x52: {  	vm0 =	vlt.s32 v3, $0xF  }
0x53: {  	v3 =	vnsel vm0, $0xF, v3;
	vm0 =	vgt.f32 v1, $6.000000000e+00  }
0x54: {  	v0 =	vmul.f32 v0, v4;
	v3 =	vsel vm0, $0x10, v3  }
0x55: {  	v4 =	vmax.f32 v5, $-8.000000000e+00  }
0x56: {  	v5 =	vmul.f32 $1.142857190e+00, v4;
	v0 =	vadd.f32 v2, v0;
	_ =	sdelay $0x1  }
0x57: {  	v2 =	vadd.f32 $9.142857550e+00, v5;
	[tilespmem:s22+$0x4120] =	vst v0  }
0x58: {  	v0 =	vld.idx.msk [tilespmem:v3+s5+$0x0], $0xffff  }
0x59: {  	v2 =	vtrunc.f32 v2;
	v3 =	vld.idx.msk [tilespmem:v3+s14+$0x0], $0xffff  }
0x5a: {  	v2 =	vcvt.f32.s32 v2;
	v5 =	vld [tilespmem:s26+$0x110];
	_ =	sdelay $0x1  }
0x5b: {  	vm0 =	vlt.s32 v2, $0xF  }
0x5c: {  	v2 =	vnsel vm0, $0xF, v2;
	vm0 =	vgt.f32 v4, $6.000000000e+00  }
0x5d: {  	v2 =	vsel vm0, $0x10, v2;
	v0 =	vmul.f32 v1, v0  }
0x5e: {  	v1 =	vmax.f32 v5, $-8.000000000e+00  }
0x5f: {  	v0 =	vadd.f32 v3, v0;
	v5 =	vmul.f32 $1.142857190e+00, v1;
	_ =	sdelay $0x1  }
0x60: {  	v3 =	vadd.f32 $9.142857550e+00, v5;
	[tilespmem:s22+$0x4130] =	vst v0;
	s22 =	smov.u32 s26  }
0x61: {  	v0 =	vld.idx.msk [tilespmem:v2+s5+$0x0], $0xffff  }
0x62: {  	v2 =	vld.idx.msk [tilespmem:v2+s14+$0x0], $0xffff;
	v3 =	vtrunc.f32 v3  }
0x63: {  	v3 =	vcvt.f32.s32 v3;
	v5 =	vld [tilespmem:s22+$0x120];
	_ =	sdelay $0x1  }
0x64: {  	vm0 =	vlt.s32 v3, $0xF  }
0x65: {  	v3 =	vnsel vm0, $0xF, v3;
	vm0 =	vgt.f32 v1, $6.000000000e+00  }
0x66: {  	v4 =	vmul.f32 v4, v0;
	v3 =	vsel vm0, $0x10, v3  }
0x67: {  	v0 =	vmax.f32 v5, $-8.000000000e+00  }
0x68: {  	v2 =	vadd.f32 v2, v4;
	v4 =	vmul.f32 $1.142857190e+00, v0;
	_ =	sdelay $0x1  }
0x69: {  	[tilespmem:s22+$0x4100] =	vst v2;
	v2 =	vadd.f32 $9.142857550e+00, v4  }
0x6a: {  	v4 =	vld.idx.msk [tilespmem:v3+s5+$0x0], $0xffff  }
0x6b: {  	v2 =	vtrunc.f32 v2;
	v5 =	vld [tilespmem:s22+$0x130]  }
0x6c: {  	v3 =	vld.idx.msk [tilespmem:v3+s14+$0x0], $0xffff;
	v2 =	vcvt.f32.s32 v2;
	_ =	sdelay $0x1  }
0x6d: {  	vm0 =	vlt.s32 v2, $0xF  }
.Ltmp4:
0x6e: {  	v2 =	vnsel vm0, $0xF, v2;
	vm0 =	vgt.f32 v0, $6.000000000e+00;
	(pc) =	sbr.rel @p1 .LBB2_7-.Ltmp4, $4  }
0x6f: {  	v4 =	vmul.f32 v1, v4;
	v2 =	vsel vm0, $0x10, v2  }
0x70: {  	v1 =	vmax.f32 v5, $-8.000000000e+00  }
0x71: {  	v3 =	vadd.f32 v3, v4;
	v4 =	vmul.f32 $1.142857190e+00, v1  }
0x72: {  	s24 =	sadd.s32 $0x80, s24;
	s25 =	sadd.s32 $0x40, s25  }
0x73: {  	_ =	sdelay $0x1  }
0x74: {  	v4 =	vadd.f32 $9.142857550e+00, v4  }
0x75: {  	[tilespmem:s22+$0x4110] =	vst v3  }
0x76: {  	v3 =	vld.idx.msk [tilespmem:v2+s5+$0x0], $0xffff;
	v4 =	vtrunc.f32 v4  }
0x77: {  	v4 =	vcvt.f32.s32 v4  }
0x78: {  	v61 =	vld.idx.msk [tilespmem:v2+s14+$0x0], $0xffff  }
0x79: {  	vm0 =	vlt.s32 v4, $0xF  }
0x7a: {  	vm15 =	vgt.f32 v1, $6.000000000e+00;
	v4 =	vnsel vm0, $0xF, v4  }
0x7b: {  	v0 =	vmul.f32 v0, v3;
	v62 =	vsel vm15, $0x10, v4;
	_ =	sdelay $0x1  }
0x7c: {  	v0 =	vadd.f32 v61, v0;
	_ =	sdelay $0x1  }
0x7d: {  	[tilespmem:s22+$0x4120] =	vst v0  }
0x7e: {  	v0 =	vld.idx.msk [tilespmem:v62+s5+$0x0], $0xffff;
	_ =	sdelay $0x1  }
0x7f: {  	v63 =	vld.idx.msk [tilespmem:v62+s14+$0x0], $0xffff;
	_ =	sdelay $0x2  }
0x80: {  	v0 =	vmul.f32 v1, v0  }
0x81: {  	s23 =	sor.u32 s6, s21  }
0x82: {  	s23 =	sshrl.u32 s23, $0x3;
	v0 =	vadd.f32 v63, v0  }
0x83: {  	s25 =	simm.s32 $0x4100;
	s24 =	sadd.s32 s4, s23  }
0x84: {  	s26 =	simm.s32 $0x4200;
	s28 =	sadd.s32 $0x0, s24;
	[tilespmem:s22+$0x4130] =	vst v0;
	s22 =	simm.s32 $0x10  }
.LBB2_9:
0x85: {  	[hbm4b:s28+s5] =	stream.linear.scatter [tilespmem:s25], [sflag:$0x3], $0x80, $0x38;
	[tilespmem:$0x8100] =	vst v63  }
0x86: {  	s28 =	smov.u32 s22;
	s25 =	smov.u32 s26;
	p1 =	sne.s32 s22, $0x3F0  }
.Ltmp5:
0x87: {  	s22 =	sadd.s32 $0x10, s22;
	(pc) =	sbr.rel @p1 .LBB2_9-.Ltmp5, $2  }
0x88: {  	_ =	sdelay $0x2  }
0x89: {  	s26 =	sadd.s32 $0x100, s26;
	s28 =	sadd.s32 s28, s24  }
0x8a: {  	p1 =	sne.s32 s20, $0x7F  }
.Ltmp6:
0x8b: {  	_ = 	snop;
	(pc) =	sbr.rel @p1 .LBB2_12-.Ltmp6, $2  }
0x8c: {  	_ =	sdelay $0x2  }
0x8d: {  	[hbm4b:s28+s5] =	stream.linear.scatter [tilespmem:s25], [sflag:$0x3], $0x80, $0x38;
	[tilespmem:$0x8100] =	vst v63  }
.Ltmp7:
0x8e: {  	(pc) =	sbr.rel .LBB2_15-.Ltmp7, $4  }
0x8f: {  	_ = 	snop  }
0x90: {  	_ =	swait.ge [sflag:s16], $0x2000  }
0x91: {  	[sflag:s16] =	ssyncset.done $0x0  }
0x92: {  	[sflag:s16] =	ssyncadd.s32 $0xFFFFE000  }
.LBB2_12:
0x93: {  	s22 =	sadd.s32 s21, s10  }
0x94: {  	s22 =	sshrl.u32 s22, $0x3  }
0x95: {  	s24 =	simm.s32 $0x100;
	s22 =	sadd.s32 s2, s22  }
0x96: {  	s25 =	simm.s32 $0x10;
	s26 =	simm.s32 $0x200;
	s28 =	sadd.s32 $0x0, s22  }
.LBB2_13:
0x97: {  	[tilespmem:s24], [sflag:$0x1] =	stream.linear.gather [hbm4b:s28+s5], $0x80, $0x38;
	[tilespmem:$0x8100] =	vst v63  }
0x98: {  	s28 =	smov.u32 s25;
	s24 =	smov.u32 s26;
	p1 =	sne.s32 s25, $0x3F0  }
.Ltmp8:
0x99: {  	s25 =	sadd.s32 $0x10, s25;
	(pc) =	sbr.rel @p1 .LBB2_13-.Ltmp8, $2  }
0x9a: {  	_ =	sdelay $0x2  }
0x9b: {  	s26 =	sadd.s32 $0x100, s26;
	s28 =	sadd.s32 s28, s22  }
.Ltmp9:
0x9c: {  	(pc) =	sbr.rel @p0 .LBB2_16-.Ltmp9, $4  }
0x9d: {  	[tilespmem:s24], [sflag:$0x1] =	stream.linear.gather [hbm4b:s28+s5], $0x80, $0x38;
	[tilespmem:$0x8100] =	vst v63  }
0x9e: {  	_ =	swait.ge [sflag:s16], $0x2000  }
0x9f: {  	[sflag:s16] =	ssyncset.done $0x0  }
0xa0: {  	[sflag:s16] =	ssyncadd.s32 $0xFFFFE000  }
.LBB2_15:
0xa1: {  	_ =	swait.ge [sflag:s17], $0x2000  }
0xa2: {  	[sflag:s17] =	ssyncset.done $0x0  }
0xa3: {  	[sflag:s17] =	ssyncadd.s32 $0xFFFFE000  }
.LBB2_16:
0xa4: {  	s22 =	simm.s32 $0xFFFFFFFC;
	s24 =	simm.s32 $0x0;
	p0 =	por $0x0, $0x0  }
.LBB2_17:
0xa5: {  	s25 =	simm.s32 $0x1  }
0xa6: {  	s25 =	simm.s32 @!p0 $0x0  }
0xa7: {  	s25 =	sshll.u32 s25, $0x6  }
0xa8: {  	s25 =	sadd.s32 s25, s24  }
0xa9: {  	s26 =	sor.u32 $0x80, s25  }
0xaa: {  	v0 =	vld [tilespmem:s26+$0x100];
	_ =	sdelay $0x4  }
0xab: {  	v0 =	vmax.f32 v0, $-8.000000000e+00  }
0xac: {  	v1 =	vmul.f32 $1.142857190e+00, v0;
	_ =	sdelay $0x1  }
0xad: {  	v1 =	vadd.f32 $9.142857550e+00, v1;
	_ =	sdelay $0x1  }
0xae: {  	v1 =	vtrunc.f32 v1  }
0xaf: {  	v1 =	vcvt.f32.s32 v1;
	_ =	sdelay $0x1  }
0xb0: {  	vm0 =	vlt.s32 v1, $0xF  }
0xb1: {  	vm9 =	vgt.f32 v0, $6.000000000e+00;
	v1 =	vnsel vm0, $0xF, v1  }
0xb2: {  	v1 =	vsel vm9, $0x10, v1;
	_ =	sdelay $0x4  }
0xb3: {  	v2 =	vld.idx.msk [tilespmem:v1+s5+$0x0], $0xffff;
	_ =	sdelay $0x1  }
0xb4: {  	v1 =	vld.idx.msk [tilespmem:v1+s14+$0x0], $0xffff;
	_ =	sdelay $0x2  }
0xb5: {  	v0 =	vmul.f32 v0, v2;
	_ =	sdelay $0x1  }
0xb6: {  	v0 =	vadd.f32 v1, v0;
	_ =	sdelay $0x1  }
0xb7: {  	s30 =	sor.u32 $0x90, s25;
	[tilespmem:s26+$0x4100] =	vst v0  }
0xb8: {  	v0 =	vld [tilespmem:s30+$0x100];
	_ =	sdelay $0x4  }
0xb9: {  	v0 =	vmax.f32 v0, $-8.000000000e+00  }
0xba: {  	v58 =	vmul.f32 $1.142857190e+00, v0;
	_ =	sdelay $0x1  }
0xbb: {  	v1 =	vadd.f32 $9.142857550e+00, v58;
	_ =	sdelay $0x1  }
0xbc: {  	v1 =	vtrunc.f32 v1  }
0xbd: {  	v1 =	vcvt.f32.s32 v1;
	_ =	sdelay $0x1  }
0xbe: {  	vm10 =	vlt.s32 v1, $0xF  }
0xbf: {  	vm11 =	vgt.f32 v0, $6.000000000e+00;
	v1 =	vnsel vm10, $0xF, v1  }
0xc0: {  	v1 =	vsel vm11, $0x10, v1;
	_ =	sdelay $0x4  }
0xc1: {  	v59 =	vld.idx.msk [tilespmem:v1+s5+$0x0], $0xffff;
	_ =	sdelay $0x1  }
0xc2: {  	v1 =	vld.idx.msk [tilespmem:v1+s14+$0x0], $0xffff;
	_ =	sdelay $0x2  }
0xc3: {  	v0 =	vmul.f32 v0, v59;
	_ =	sdelay $0x1  }
0xc4: {  	v0 =	vadd.f32 v1, v0;
	_ =	sdelay $0x1  }
0xc5: {  	s31 =	sor.u32 $0xA0, s25;
	[tilespmem:s30+$0x4100] =	vst v0  }
0xc6: {  	v0 =	vld [tilespmem:s31+$0x100];
	_ =	sdelay $0x4  }
0xc7: {  	v0 =	vmax.f32 v0, $-8.000000000e+00  }
0xc8: {  	v60 =	vmul.f32 $1.142857190e+00, v0;
	_ =	sdelay $0x1  }
0xc9: {  	v1 =	vadd.f32 $9.142857550e+00, v60;
	_ =	sdelay $0x1  }
0xca: {  	v1 =	vtrunc.f32 v1  }
0xcb: {  	v1 =	vcvt.f32.s32 v1;
	_ =	sdelay $0x1  }
0xcc: {  	vm12 =	vlt.s32 v1, $0xF  }
0xcd: {  	vm13 =	vgt.f32 v0, $6.000000000e+00;
	v1 =	vnsel vm12, $0xF, v1  }
0xce: {  	v1 =	vsel vm13, $0x10, v1;
	_ =	sdelay $0x4  }
0xcf: {  	v61 =	vld.idx.msk [tilespmem:v1+s5+$0x0], $0xffff;
	_ =	sdelay $0x1  }
0xd0: {  	v1 =	vld.idx.msk [tilespmem:v1+s14+$0x0], $0xffff;
	_ =	sdelay $0x2  }
0xd1: {  	v0 =	vmul.f32 v0, v61;
	_ =	sdelay $0x1  }
0xd2: {  	v0 =	vadd.f32 v1, v0;
	_ =	sdelay $0x1  }
0xd3: {  	s25 =	sor.u32 $0xB0, s25;
	[tilespmem:s31+$0x4100] =	vst v0  }
0xd4: {  	v0 =	vld [tilespmem:s25+$0x100];
	_ =	sdelay $0x4  }
0xd5: {  	v0 =	vmax.f32 v0, $-8.000000000e+00  }
0xd6: {  	v62 =	vmul.f32 $1.142857190e+00, v0;
	_ =	sdelay $0x1  }
0xd7: {  	v1 =	vadd.f32 $9.142857550e+00, v62;
	_ =	sdelay $0x1  }
0xd8: {  	v1 =	vtrunc.f32 v1  }
0xd9: {  	v1 =	vcvt.f32.s32 v1;
	_ =	sdelay $0x1  }
0xda: {  	vm14 =	vlt.s32 v1, $0xF  }
0xdb: {  	vm15 =	vgt.f32 v0, $6.000000000e+00;
	v1 =	vnsel vm14, $0xF, v1  }
0xdc: {  	v1 =	vsel vm15, $0x10, v1;
	_ =	sdelay $0x4  }
0xdd: {  	v63 =	vld.idx.msk [tilespmem:v1+s5+$0x0], $0xffff;
	_ =	sdelay $0x1  }
0xde: {  	v1 =	vld.idx.msk [tilespmem:v1+s14+$0x0], $0xffff  }
0xdf: {  	s22 =	sadd.s32 $0x4, s22  }
0xe0: {  	p1 =	slt.u32 s22, $0x1FC  }
.Ltmp10:
0xe1: {  	v0 =	vmul.f32 v0, v63;
	(pc) =	sbr.rel @p1 .LBB2_17-.Ltmp10, $3  }
0xe2: {  	_ = 	snop  }
0xe3: {  	v0 =	vadd.f32 v1, v0;
	_ =	sdelay $0x1  }
0xe4: {  	p0 =	por !p0, !p0;
	s24 =	sadd.s32 $0x80, s24;
	[tilespmem:s25+$0x4100] =	vst v0  }
0xe5: {  	s22 =	sadd.s32 s23, s4  }
0xe6: {  	s23 =	simm.s32 $0x4180;
	s22 =	sadd.s32 $0x400, s22  }
0xe7: {  	s24 =	simm.s32 $0x10;
	s25 =	simm.s32 $0x4280;
	s26 =	sadd.s32 $0x0, s22  }
.LBB2_19:
0xe8: {  	[hbm4b:s26+s5] =	stream.linear.scatter [tilespmem:s23], [sflag:$0x4], $0x80, $0x38;
	[tilespmem:$0x8100] =	vst v63  }
0xe9: {  	s26 =	smov.u32 s24;
	s23 =	smov.u32 s25;
	p0 =	sne.s32 s24, $0x3F0  }
.Ltmp11:
0xea: {  	s24 =	sadd.s32 $0x10, s24;
	(pc) =	sbr.rel @p0 .LBB2_19-.Ltmp11, $2  }
0xeb: {  	_ =	sdelay $0x2  }
0xec: {  	s25 =	sadd.s32 $0x100, s25;
	s26 =	sadd.s32 s26, s22  }
0xed: {  	p0 =	seq.s32 s20, $0x7F  }
.Ltmp12:
0xee: {  	_ = 	snop;
	(pc) =	sbr.rel @p0 .LBB2_24-.Ltmp12, $2  }
0xef: {  	_ =	sdelay $0x2  }
0xf0: {  	[hbm4b:s26+s5] =	stream.linear.scatter [tilespmem:s23], [sflag:$0x4], $0x80, $0x38;
	[tilespmem:$0x8100] =	vst v63  }
0xf1: {  	s21 =	sadd.s32 s21, s11  }
0xf2: {  	s21 =	sshrl.u32 s21, $0x3  }
0xf3: {  	s22 =	simm.s32 $0x180;
	s21 =	sadd.s32 s2, s21  }
0xf4: {  	s23 =	simm.s32 $0x10;
	s24 =	simm.s32 $0x280;
	s25 =	sadd.s32 $0x0, s21  }
.LBB2_22:
0xf5: {  	[tilespmem:s22], [sflag:$0x2] =	stream.linear.gather [hbm4b:s25+s5], $0x80, $0x38;
	[tilespmem:$0x8100] =	vst v63  }
0xf6: {  	s25 =	smov.u32 s23;
	s22 =	smov.u32 s24;
	p0 =	sne.s32 s23, $0x3F0  }
.Ltmp13:
0xf7: {  	s23 =	sadd.s32 $0x10, s23;
	(pc) =	sbr.rel @p0 .LBB2_22-.Ltmp13, $2  }
0xf8: {  	_ =	sdelay $0x2  }
0xf9: {  	s24 =	sadd.s32 $0x100, s24;
	s25 =	sadd.s32 s25, s21  }
.Ltmp14:
0xfa: {  	(pc) =	sbr.rel .LBB2_6-.Ltmp14, $3  }
0xfb: {  	_ =	sdelay $0x1  }
0xfc: {  	[tilespmem:s22], [sflag:$0x2] =	stream.linear.gather [hbm4b:s25+s5], $0x80, $0x38;
	[tilespmem:$0x8100] =	vst v63  }
0xfd: {  	s20 =	sadd.s32 $0x1, s20  }
.LBB2_25:
0xfe: {  	_ =	sfence.sel $0x180000  }
0xff: {  	[bflag:$0x0] =	sbarrier.arrive $0xFFFF  }
0x100: {  	p0 =	sne.s32 s1, $0x0;
	_ =	strace $0x90000047  }
0x101: {  	s0 =	sadd.s32 @!p0 $0x100000, s0;
	[bflag:$0x2] =	sbarrier.arrive $0xFFFF  }
0x102: {  	[sflag:s0] =	ssyncadd.tile.s32 @!p0 $0x1;
	_ =	shalt  }
.Lfunc_end2:
_tile_overlayer_lowered:
.L_overlay_start_2:
0x103: {  	(tag) =	ssettag $0x2  }
0x104: {  	s0 =	rddreg [dreg:$0x0];
	s2 =	stileid.u32  }
0x105: {  	s1 =	rddreg [dreg:$0x1];
	p0 =	sne.s32 s2, $0x0  }
0x106: {  	s3 =	rddreg [dreg:$0x2];
	[bflag:$0x3] =	sbarrier.arrive $0xFFFF;
	s2 =	simm.s32 @!p0 $0x1C05  }
0x107: {  	[timem:s3], [sflag:s2] =	dma.local @!p0 [hbm:s0], s1  }
0x108: {  	s0 =	simm.s32 @!p0 $0x5  }
0x109: {  	_ =	swait.ge @!p0 [sflag:s0], s1  }
0x10a: {  	s1 =	ssub.s32 @!p0 $0x0, s1;
	[sflag:s0] =	ssyncset.done @!p0 $0x0  }
0x10b: {  	[sflag:s0] =	ssyncadd.s32 @!p0 s1  }
0x10c: {  	[bflag:$0x3] =	sbarrier.arrive $0xFFFF  }
0x10d: {  	_ =	shalt  }

</sc_bundles>
